<compile_context>
chip_gen: v7x
topology: tpu7x:2x2x1
jax: 0.10.2.dev20260603
libtpu: 0.0.44.dev20260713+nightly
codegen_flags: <defaults>
</compile_context>

<pallas_src>
import numpy as np
import jax
import jax.numpy as jnp
from jax import lax
from jax.experimental import pallas as pl
from jax.experimental.pallas import tpu as pltpu
from jax.experimental.pallas import tpu_sc as plsc

_NX = _NY = _NZ = 32
_D = 128
_B = 16
_NC, _NS, _L = 2, 16, 16
_NW = _NC * _NS
_QROWS = _B * _NX * _NY // 4
_QPW = _QROWS // _NW
_SROWS = 20


def _voxel_body(sa_hbm, tab_hbm, out_hbm, sa_v, idx_v, rows_v, gsem, osem):
    cid = lax.axis_index("c")
    sid = lax.axis_index("s")
    wid = sid * _NC + cid
    base = wid * _QPW

    pltpu.sync_copy(sa_hbm.at[wid], sa_v)
    lv = sa_v[0, :]
    wv = sa_v[1, :]
    hv = sa_v[2, :]

    one = jnp.ones((_L,), jnp.int32)
    zer = jnp.zeros((_L,), jnp.int32)

    rhsc_l, rhsb_l = 123.0 * lv - 512.0, 133.0 * lv - 512.0
    rhsc_w, rhsb_w = 123.0 * wv - 512.0, 133.0 * wv - 512.0
    rhsc_h, rhsb_h = 123.0 * hv - 512.0, 133.0 * hv - 512.0

    prod_z = 5.0 * hv
    iz_c = jnp.where(prod_z < rhsc_h, one, zer)
    iz_b = jnp.where(prod_z < rhsb_h + sa_v[11, :], one, zer)

    a = []
    c = []
    for t in range(4):
        prod = sa_v[5 + t, :] * wv
        ceny = prod < rhsc_w
        if t == 0:
            inby = prod < rhsb_w + sa_v[9, :]
        elif t == 3:
            inby = prod < rhsb_w + sa_v[10, :]
        else:
            inby = prod < rhsb_w
        a.append(jnp.where(inby, iz_b, zer))
        c.append(jnp.where(ceny, iz_c, zer))

    def _x3(v):
        return v + v + v

    aq = _x3(_x3(_x3(a[0]) + a[1]) + a[2]) + a[3]
    cq = _x3(_x3(_x3(c[0]) + c[1]) + c[2]) + c[3]

    for m in range(8):
        prod = sa_v[12 + m, :] * lv
        cenx = prod < rhsc_l
        if m == 0:
            rb = rhsb_l + sa_v[3, :]
        elif m == 7:
            rb = rhsb_l + sa_v[4, :]
        else:
            rb = rhsb_l
        inbx = prod < rb
        comb = jnp.where(inbx, aq, zer) + jnp.where(cenx, cq, zer)
        idx_v[m // 2, pl.ds((m % 2) * _L, _L)] = comb

    gathers = [
        pltpu.async_copy(tab_hbm.at[wid].at[idx_v.at[k]],
                         rows_v.at[pl.ds(k * 32, 32)], gsem)
        for k in range(4)
    ]
    outs = []
    for k in range(4):
        gathers[k].wait()
        outs.append(
            pltpu.async_copy(rows_v.at[pl.ds(k * 32, 32)],
                             out_hbm.at[pl.ds(base + k * 32, 32)], osem))
    for o in outs:
        o.wait()


_vox = pl.kernel(
    _voxel_body,
    out_type=jax.ShapeDtypeStruct((_QROWS, 4 * _D), jnp.float32),
    mesh=plsc.VectorSubcoreMesh(core_axis_name="c", subcore_axis_name="s"),
    scratch_types=[
        pltpu.VMEM((_SROWS, _L), jnp.float32),
        pltpu.VMEM((4, 32), jnp.int32),
        pltpu.VMEM((_QPW, 4 * _D), jnp.float32),
        pltpu.SemaphoreType.DMA,
        pltpu.SemaphoreType.DMA,
    ],
)


def kernel(search_area, embed_weight):
    sa = search_area.astype(jnp.float32)

    xx = (sa - 4.0) / 1.25
    start = -sa / 2 + sa / 64
    stop = sa / 2 - sa / 64
    cgrid = jnp.linspace(start, stop, _NX, axis=-1)
    thr_b = xx / 2 + 0.5 * (sa / 32)
    bump15 = (jnp.abs(cgrid[..., 15]) < thr_b).astype(jnp.float32)
    bump16 = (jnp.abs(cgrid[..., 16]) < thr_b).astype(jnp.float32)

    widx = jnp.arange(_NW)
    samp = widx // 2
    ihalf = (widx % 2).astype(jnp.float32)
    lane = jnp.arange(_L)
    ones_l = jnp.ones((1, 1, _L), jnp.float32)
    low = (lane < 8).astype(jnp.float32)
    lwh = sa[samp][:, :, None] * ones_l
    xb0 = (ihalf * bump16[samp, 0])[:, None, None] * low[None, None, :]
    xb7 = (((1.0 - ihalf) * bump15[samp, 0])[:, None, None]
           * (1.0 - low)[None, None, :])
    ycoef = jnp.stack(
        [5.0 * jnp.abs(2.0 * (4.0 * (lane % 8) + t) - 31.0)
         for t in range(4)]).astype(jnp.float32)
    ycoef_b = jnp.broadcast_to(ycoef[None], (_NW, 4, _L))
    hotq4 = ((lane % 8) == 4).astype(jnp.float32)
    hotq3 = ((lane % 8) == 3).astype(jnp.float32)
    yb0 = bump16[samp, 1][:, None, None] * hotq4[None, None, :]
    yb3 = bump15[samp, 1][:, None, None] * hotq3[None, None, :]
    zb = bump16[samp, 2][:, None, None] * ones_l
    i0 = ihalf * 16.0
    xcoef = 5.0 * jnp.abs(
        2.0 * (i0[:, None, None] + 2.0 * jnp.arange(8.0)[None, :, None]
               + (lane // 8)[None, None, :]) - 31.0)
    blk = jnp.concatenate(
        [lwh, xb0, xb7, ycoef_b, yb0, yb3, zb, xcoef], axis=1)

    q = jnp.arange(81)
    digits = jnp.stack([q // 27 % 3, q // 9 % 3, q // 3 % 3, q % 3], axis=1)
    tab4 = embed_weight[digits].reshape(81, 4 * _D)
    tab4_rep = jnp.broadcast_to(tab4[None], (_NW, 81, 4 * _D))

    out = _vox(blk, tab4_rep)
    return out.reshape(_B, _NX, _NY, _D)

# --- scband reference (transcript-rebuilt; emitter-appended) ---
"""Pipeline reference for scband-voxel-mask-embedding-44074954391644 (READ-ONLY COPY).

The authoritative reference and input builder live on the scoring server;
editing this copy changes nothing except your own understanding.
"""

import jax, jax.numpy as jnp
import numpy as np

NX, NY, NZ = 32, 32, 32
D = 128
B = 16


def setup_inputs(seed: int = 0) -> dict:
    key = jax.random.key(seed)
    k1, = jax.random.split(key, 1)
    # search_area: (l, w, h) per sample; randint fill per spec
    search_area = jax.random.randint(k1, (B, 3), 0, 24).astype(jnp.float32)
    # learned mask embedding table: weight.data = tensor([[0,0.5,1]]*D).T -> shape [3, D]
    embed_weight = jnp.tile(jnp.array([[0.0], [0.5], [1.0]], dtype=jnp.float32), (1, D))
    return {"search_area": search_area, "embed_weight": embed_weight}


def _per_batch(lwh, embed_weight):
    l, w, h = lwh[0], lwh[1], lwh[2]
    x = (l - 4.0) / 1.25
    y = (w - 4.0) / 1.25
    z = (h - 4.0) / 1.25
    cx = jnp.linspace(-l / 2 + l / (2 * NX), l / 2 - l / (2 * NX), NX)
    cy = jnp.linspace(-w / 2 + w / (2 * NY), w / 2 - w / (2 * NY), NY)
    cz = jnp.linspace(-h / 2 + h / (2 * NZ), h / 2 - h / (2 * NZ), NZ)
    gx, gy, gz = jnp.meshgrid(cx, cy, cz, indexing='ij')
    # torch: stack -> flatten -> view(3,-1) -> transpose(0,1) == reshape(3,-1).T
    coords = jnp.stack([gx, gy, gz]).reshape(3, -1).T  # [nvox, 3]
    ax = jnp.abs(coords[:, 0])
    ay = jnp.abs(coords[:, 1])
    az = jnp.abs(coords[:, 2])
    center = (ax < x / 2 - 0.5 * (l / NX)) & (ay < y / 2 - 0.5 * (w / NY)) & (az < z / 2 - 0.5 * (h / NZ))
    boundary = (~center) & (ax < x / 2 + 0.5 * (l / NX)) & (ay < y / 2 + 0.5 * (w / NY)) & (az < z / 2 + 0.5 * (h / NZ))
    # masked scatter-overwrite into zeros array: center->row 2, boundary->row 1, rest->row 0
    idx = jnp.where(center, 2, jnp.where(boundary, 1, 0))  # [nvox]
    emb = jnp.zeros((NX * NY * NZ, D), dtype=jnp.float32)
    emb = emb.at[jnp.arange(NX * NY * NZ)].set(jnp.take(embed_weight, idx, axis=0))
    emb = emb.reshape(NX, NY, NZ, D)[:, :, NZ // 2]  # [NX, NY, D]
    return emb


def reference(search_area, embed_weight):
    # device arg of the torch module is a no-op here (pure jnp)
    return jax.vmap(_per_batch, in_axes=(0, None))(search_area, embed_weight)  # [B, NX, NY, D]

if __name__ == "__main__":
    import jax
    _d = setup_inputs()
    print(jax.jit(kernel)(*tuple(_d.values())))

</pallas_src>

<mosaic_0001>
#map = affine_map<(d0, d1) -> (0, 0, 0)>
#map1 = affine_map<(d0, d1) -> (0, 0)>
module attributes {stable_mosaic.version = 14 : i64} {
  func.func @_voxel_body(%arg0: i32, %arg1: i32, %arg2: memref<32x20x16xf32, #tpu.memory_space<hbm>>, %arg3: memref<32x81x512xf32, #tpu.memory_space<hbm>>, %arg4: memref<4096x512xf32, #tpu.memory_space<hbm>>, %arg5: memref<20x16xf32, #tpu.memory_space<vmem>>, %arg6: memref<4x32xi32, #tpu.memory_space<vmem>>, %arg7: memref<128x512xf32, #tpu.memory_space<vmem>>, %arg8: memref<!tpu.dma_semaphore, #tpu.memory_space<semaphore_mem>>, %arg9: memref<!tpu.dma_semaphore, #tpu.memory_space<semaphore_mem>>) attributes {dimension_semantics = [#tpu.dimension_semantics<core_parallel>, #tpu.dimension_semantics<subcore_parallel>], iteration_bounds = array<i64: 2, 16>, scalar_prefetch = 0 : i64, scratch_operands = 5 : i64, tpu.core_type = #tpu.core_type<sc_vector_subcore>, window_params = [{transform_indices = #map}, {transform_indices = #map}, {transform_indices = #map1}]} {
    %mul3A = arith.constant 2 : i32
    %mul3A_0 = arith.muli %arg1, %mul3A : i32
    %add3A = arith.addi %mul3A_0, %arg0 : i32
    %mul3A_1 = arith.constant 128 : i32
    %mul3A_2 = arith.muli %add3A, %mul3A_1 : i32
    "tpu.region"() ({
      %run_scoped3A = tpu.sem_alloc : memref<!tpu.dma_semaphore, #tpu.memory_space<semaphore_mem>>
      %dma_start3A_481 = arith.constant 0 : i32
      %dma_start3A_482 = arith.constant 0 : i32
      %dma_start3A_483 = tpu.memref_slice %arg2[%add3A, %dma_start3A_481, %dma_start3A_482] : memref<32x20x16xf32, #tpu.memory_space<hbm>> -> memref<1x20x16xf32, #tpu.memory_space<hbm>>
      %dma_start3A_484 = tpu.memref_squeeze %dma_start3A_483 : memref<1x20x16xf32, #tpu.memory_space<hbm>> -> memref<20x16xf32, #tpu.memory_space<hbm>>
      %dma_start3A_485 = arith.constant 0 : i32
      %dma_start3A_486 = arith.constant 0 : i32
      %dma_start3A_487 = tpu.memref_slice %arg2[%add3A, %dma_start3A_485, %dma_start3A_486] : memref<32x20x16xf32, #tpu.memory_space<hbm>> -> memref<1x20x16xf32, #tpu.memory_space<hbm>>
      %dma_start3A_488 = tpu.memref_squeeze %dma_start3A_487 : memref<1x20x16xf32, #tpu.memory_space<hbm>> -> memref<20x16xf32, #tpu.memory_space<hbm>>
      tpu.enqueue_dma source(%dma_start3A_488 : memref<20x16xf32, #tpu.memory_space<hbm>>) target(%arg5 : memref<20x16xf32, #tpu.memory_space<vmem>>) target_semaphore(%run_scoped3A : memref<!tpu.dma_semaphore, #tpu.memory_space<semaphore_mem>>)
      %dma_wait3A_489 = arith.constant 0 : i32
      %dma_wait3A_490 = arith.constant 0 : i32
      %dma_wait3A_491 = tpu.memref_slice %arg2[%add3A, %dma_wait3A_489, %dma_wait3A_490] : memref<32x20x16xf32, #tpu.memory_space<hbm>> -> memref<1x20x16xf32, #tpu.memory_space<hbm>>
      %dma_wait3A_492 = tpu.memref_squeeze %dma_wait3A_491 : memref<1x20x16xf32, #tpu.memory_space<hbm>> -> memref<20x16xf32, #tpu.memory_space<hbm>>
      %dma_wait3A_493 = arith.constant 0 : i32
      %dma_wait3A_494 = arith.constant 0 : i32
      %dma_wait3A_495 = tpu.memref_slice %arg2[%add3A, %dma_wait3A_493, %dma_wait3A_494] : memref<32x20x16xf32, #tpu.memory_space<hbm>> -> memref<1x20x16xf32, #tpu.memory_space<hbm>>
      %dma_wait3A_496 = tpu.memref_squeeze %dma_wait3A_495 : memref<1x20x16xf32, #tpu.memory_space<hbm>> -> memref<20x16xf32, #tpu.memory_space<hbm>>
      tpu.wait_dma2 semaphore(%run_scoped3A : memref<!tpu.dma_semaphore, #tpu.memory_space<semaphore_mem>>) src(%dma_wait3A_496 : memref<20x16xf32, #tpu.memory_space<hbm>>) dst(%arg5 : memref<20x16xf32, #tpu.memory_space<vmem>>)
      tpu.yield
    }) : () -> ()
    %get3A = arith.constant 0 : i32
    %get3A_3 = arith.index_cast %get3A : i32 to index
    %get3A_4 = arith.constant 0 : index
    %get3A_5 = tpu.vector_load %arg5[%get3A_3, %get3A_4] {strides = array<i32>} : memref<20x16xf32, #tpu.memory_space<vmem>>, vector<1x16xf32>,
    %get3A_6 = vector.shape_cast %get3A_5 : vector<1x16xf32> to vector<16xf32>
    %get3A_7 = arith.constant 1 : i32
    %get3A_8 = arith.index_cast %get3A_7 : i32 to index
    %get3A_9 = arith.constant 0 : index
    %get3A_10 = tpu.vector_load %arg5[%get3A_8, %get3A_9] {strides = array<i32>} : memref<20x16xf32, #tpu.memory_space<vmem>>, vector<1x16xf32>,
    %get3A_11 = vector.shape_cast %get3A_10 : vector<1x16xf32> to vector<16xf32>
    %get3A_12 = arith.constant 2 : i32
    %get3A_13 = arith.index_cast %get3A_12 : i32 to index
    %get3A_14 = arith.constant 0 : index
    %get3A_15 = tpu.vector_load %arg5[%get3A_13, %get3A_14] {strides = array<i32>} : memref<20x16xf32, #tpu.memory_space<vmem>>, vector<1x16xf32>,
    %get3A_16 = vector.shape_cast %get3A_15 : vector<1x16xf32> to vector<16xf32>
    %broadcast_in_dim3A = arith.constant 1 : i32
    %broadcast_in_dim3A_17 = vector.broadcast %broadcast_in_dim3A : i32 to vector<16xi32>
    %broadcast_in_dim3A_18 = arith.constant 0 : i32
    %broadcast_in_dim3A_19 = vector.broadcast %broadcast_in_dim3A_18 : i32 to vector<16xi32>
    %mul3A_20 = arith.constant 1.230000e+02 : f32
    %mul3A_21 = vector.broadcast %mul3A_20 : f32 to vector<16xf32>
    %mul3A_22 = arith.mulf %mul3A_21, %get3A_6 : vector<16xf32>
    %sub3A = arith.constant 5.120000e+02 : f32
    %sub3A_23 = vector.broadcast %sub3A : f32 to vector<16xf32>
    %sub3A_24 = arith.subf %mul3A_22, %sub3A_23 : vector<16xf32>
    %mul3A_25 = arith.constant 1.330000e+02 : f32
    %mul3A_26 = vector.broadcast %mul3A_25 : f32 to vector<16xf32>
    %mul3A_27 = arith.mulf %mul3A_26, %get3A_6 : vector<16xf32>
    %sub3A_28 = arith.constant 5.120000e+02 : f32
    %sub3A_29 = vector.broadcast %sub3A_28 : f32 to vector<16xf32>
    %sub3A_30 = arith.subf %mul3A_27, %sub3A_29 : vector<16xf32>
    %mul3A_31 = arith.constant 1.230000e+02 : f32
    %mul3A_32 = vector.broadcast %mul3A_31 : f32 to vector<16xf32>
    %mul3A_33 = arith.mulf %mul3A_32, %get3A_11 : vector<16xf32>
    %sub3A_34 = arith.constant 5.120000e+02 : f32
    %sub3A_35 = vector.broadcast %sub3A_34 : f32 to vector<16xf32>
    %sub3A_36 = arith.subf %mul3A_33, %sub3A_35 : vector<16xf32>
    %mul3A_37 = arith.constant 1.330000e+02 : f32
    %mul3A_38 = vector.broadcast %mul3A_37 : f32 to vector<16xf32>
    %mul3A_39 = arith.mulf %mul3A_38, %get3A_11 : vector<16xf32>
    %sub3A_40 = arith.constant 5.120000e+02 : f32
    %sub3A_41 = vector.broadcast %sub3A_40 : f32 to vector<16xf32>
    %sub3A_42 = arith.subf %mul3A_39, %sub3A_41 : vector<16xf32>
    %mul3A_43 = arith.constant 1.230000e+02 : f32
    %mul3A_44 = vector.broadcast %mul3A_43 : f32 to vector<16xf32>
    %mul3A_45 = arith.mulf %mul3A_44, %get3A_16 : vector<16xf32>
    %sub3A_46 = arith.constant 5.120000e+02 : f32
    %sub3A_47 = vector.broadcast %sub3A_46 : f32 to vector<16xf32>
    %sub3A_48 = arith.subf %mul3A_45, %sub3A_47 : vector<16xf32>
    %mul3A_49 = arith.constant 1.330000e+02 : f32
    %mul3A_50 = vector.broadcast %mul3A_49 : f32 to vector<16xf32>
    %mul3A_51 = arith.mulf %mul3A_50, %get3A_16 : vector<16xf32>
    %sub3A_52 = arith.constant 5.120000e+02 : f32
    %sub3A_53 = vector.broadcast %sub3A_52 : f32 to vector<16xf32>
    %sub3A_54 = arith.subf %mul3A_51, %sub3A_53 : vector<16xf32>
    %mul3A_55 = arith.constant 5.000000e+00 : f32
    %mul3A_56 = vector.broadcast %mul3A_55 : f32 to vector<16xf32>
    %mul3A_57 = arith.mulf %mul3A_56, %get3A_16 : vector<16xf32>
    %lt3A = arith.cmpf olt, %mul3A_57, %sub3A_48 : vector<16xf32>
    %select_n3A = arith.select %lt3A, %broadcast_in_dim3A_17, %broadcast_in_dim3A_19 : vector<16xi1>, vector<16xi32>
    %get3A_58 = arith.constant 11 : i32
    %get3A_59 = arith.index_cast %get3A_58 : i32 to index
    %get3A_60 = arith.constant 0 : index
    %get3A_61 = tpu.vector_load %arg5[%get3A_59, %get3A_60] {strides = array<i32>} : memref<20x16xf32, #tpu.memory_space<vmem>>, vector<1x16xf32>,
    %get3A_62 = vector.shape_cast %get3A_61 : vector<1x16xf32> to vector<16xf32>
    %add3A_63 = arith.addf %sub3A_54, %get3A_62 : vector<16xf32>
    %lt3A_64 = arith.cmpf olt, %mul3A_57, %add3A_63 : vector<16xf32>
    %select_n3A_65 = arith.select %lt3A_64, %broadcast_in_dim3A_17, %broadcast_in_dim3A_19 : vector<16xi1>, vector<16xi32>
    %get3A_66 = arith.constant 5 : i32
    %get3A_67 = arith.index_cast %get3A_66 : i32 to index
    %get3A_68 = arith.constant 0 : index
    %get3A_69 = tpu.vector_load %arg5[%get3A_67, %get3A_68] {strides = array<i32>} : memref<20x16xf32, #tpu.memory_space<vmem>>, vector<1x16xf32>,
    %get3A_70 = vector.shape_cast %get3A_69 : vector<1x16xf32> to vector<16xf32>
    %mul3A_71 = arith.mulf %get3A_70, %get3A_11 : vector<16xf32>
    %lt3A_72 = arith.cmpf olt, %mul3A_71, %sub3A_36 : vector<16xf32>
    %get3A_73 = arith.constant 9 : i32
    %get3A_74 = arith.index_cast %get3A_73 : i32 to index
    %get3A_75 = arith.constant 0 : index
    %get3A_76 = tpu.vector_load %arg5[%get3A_74, %get3A_75] {strides = array<i32>} : memref<20x16xf32, #tpu.memory_space<vmem>>, vector<1x16xf32>,
    %get3A_77 = vector.shape_cast %get3A_76 : vector<1x16xf32> to vector<16xf32>
    %add3A_78 = arith.addf %sub3A_42, %get3A_77 : vector<16xf32>
    %lt3A_79 = arith.cmpf olt, %mul3A_71, %add3A_78 : vector<16xf32>
    %select_n3A_80 = arith.select %lt3A_79, %select_n3A_65, %broadcast_in_dim3A_19 : vector<16xi1>, vector<16xi32>
    %select_n3A_81 = arith.select %lt3A_72, %select_n3A, %broadcast_in_dim3A_19 : vector<16xi1>, vector<16xi32>
    %get3A_82 = arith.constant 6 : i32
    %get3A_83 = arith.index_cast %get3A_82 : i32 to index
    %get3A_84 = arith.constant 0 : index
    %get3A_85 = tpu.vector_load %arg5[%get3A_83, %get3A_84] {strides = array<i32>} : memref<20x16xf32, #tpu.memory_space<vmem>>, vector<1x16xf32>,
    %get3A_86 = vector.shape_cast %get3A_85 : vector<1x16xf32> to vector<16xf32>
    %mul3A_87 = arith.mulf %get3A_86, %get3A_11 : vector<16xf32>
    %lt3A_88 = arith.cmpf olt, %mul3A_87, %sub3A_36 : vector<16xf32>
    %lt3A_89 = arith.cmpf olt, %mul3A_87, %sub3A_42 : vector<16xf32>
    %select_n3A_90 = arith.select %lt3A_89, %select_n3A_65, %broadcast_in_dim3A_19 : vector<16xi1>, vector<16xi32>
    %select_n3A_91 = arith.select %lt3A_88, %select_n3A, %broadcast_in_dim3A_19 : vector<16xi1>, vector<16xi32>
    %get3A_92 = arith.constant 7 : i32
    %get3A_93 = arith.index_cast %get3A_92 : i32 to index
    %get3A_94 = arith.constant 0 : index
    %get3A_95 = tpu.vector_load %arg5[%get3A_93, %get3A_94] {strides = array<i32>} : memref<20x16xf32, #tpu.memory_space<vmem>>, vector<1x16xf32>,
    %get3A_96 = vector.shape_cast %get3A_95 : vector<1x16xf32> to vector<16xf32>
    %mul3A_97 = arith.mulf %get3A_96, %get3A_11 : vector<16xf32>
    %lt3A_98 = arith.cmpf olt, %mul3A_97, %sub3A_36 : vector<16xf32>
    %lt3A_99 = arith.cmpf olt, %mul3A_97, %sub3A_42 : vector<16xf32>
    %select_n3A_100 = arith.select %lt3A_99, %select_n3A_65, %broadcast_in_dim3A_19 : vector<16xi1>, vector<16xi32>
    %select_n3A_101 = arith.select %lt3A_98, %select_n3A, %broadcast_in_dim3A_19 : vector<16xi1>, vector<16xi32>
    %get3A_102 = arith.constant 8 : i32
    %get3A_103 = arith.index_cast %get3A_102 : i32 to index
    %get3A_104 = arith.constant 0 : index
    %get3A_105 = tpu.vector_load %arg5[%get3A_103, %get3A_104] {strides = array<i32>} : memref<20x16xf32, #tpu.memory_space<vmem>>, vector<1x16xf32>,
    %get3A_106 = vector.shape_cast %get3A_105 : vector<1x16xf32> to vector<16xf32>
    %mul3A_107 = arith.mulf %get3A_106, %get3A_11 : vector<16xf32>
    %lt3A_108 = arith.cmpf olt, %mul3A_107, %sub3A_36 : vector<16xf32>
    %get3A_109 = arith.constant 10 : i32
    %get3A_110 = arith.index_cast %get3A_109 : i32 to index
    %get3A_111 = arith.constant 0 : index
    %get3A_112 = tpu.vector_load %arg5[%get3A_110, %get3A_111] {strides = array<i32>} : memref<20x16xf32, #tpu.memory_space<vmem>>, vector<1x16xf32>,
    %get3A_113 = vector.shape_cast %get3A_112 : vector<1x16xf32> to vector<16xf32>
    %add3A_114 = arith.addf %sub3A_42, %get3A_113 : vector<16xf32>
    %lt3A_115 = arith.cmpf olt, %mul3A_107, %add3A_114 : vector<16xf32>
    %select_n3A_116 = arith.select %lt3A_115, %select_n3A_65, %broadcast_in_dim3A_19 : vector<16xi1>, vector<16xi32>
    %select_n3A_117 = arith.select %lt3A_108, %select_n3A, %broadcast_in_dim3A_19 : vector<16xi1>, vector<16xi32>
    %add3A_118 = arith.addi %select_n3A_80, %select_n3A_80 : vector<16xi32>
    %add3A_119 = arith.addi %add3A_118, %select_n3A_80 : vector<16xi32>
    %add3A_120 = arith.addi %add3A_119, %select_n3A_90 : vector<16xi32>
    %add3A_121 = arith.addi %add3A_120, %add3A_120 : vector<16xi32>
    %add3A_122 = arith.addi %add3A_121, %add3A_120 : vector<16xi32>
    %add3A_123 = arith.addi %add3A_122, %select_n3A_100 : vector<16xi32>
    %add3A_124 = arith.addi %add3A_123, %add3A_123 : vector<16xi32>
    %add3A_125 = arith.addi %add3A_124, %add3A_123 : vector<16xi32>
    %add3A_126 = arith.addi %add3A_125, %select_n3A_116 : vector<16xi32>
    %add3A_127 = arith.addi %select_n3A_81, %select_n3A_81 : vector<16xi32>
    %add3A_128 = arith.addi %add3A_127, %select_n3A_81 : vector<16xi32>
    %add3A_129 = arith.addi %add3A_128, %select_n3A_91 : vector<16xi32>
    %add3A_130 = arith.addi %add3A_129, %add3A_129 : vector<16xi32>
    %add3A_131 = arith.addi %add3A_130, %add3A_129 : vector<16xi32>
    %add3A_132 = arith.addi %add3A_131, %select_n3A_101 : vector<16xi32>
    %add3A_133 = arith.addi %add3A_132, %add3A_132 : vector<16xi32>
    %add3A_134 = arith.addi %add3A_133, %add3A_132 : vector<16xi32>
    %add3A_135 = arith.addi %add3A_134, %select_n3A_117 : vector<16xi32>
    %get3A_136 = arith.constant 12 : i32
    %get3A_137 = arith.index_cast %get3A_136 : i32 to index
    %get3A_138 = arith.constant 0 : index
    %get3A_139 = tpu.vector_load %arg5[%get3A_137, %get3A_138] {strides = array<i32>} : memref<20x16xf32, #tpu.memory_space<vmem>>, vector<1x16xf32>,
    %get3A_140 = vector.shape_cast %get3A_139 : vector<1x16xf32> to vector<16xf32>
    %mul3A_141 = arith.mulf %get3A_140, %get3A_6 : vector<16xf32>
    %lt3A_142 = arith.cmpf olt, %mul3A_141, %sub3A_24 : vector<16xf32>
    %get3A_143 = arith.constant 3 : i32
    %get3A_144 = arith.index_cast %get3A_143 : i32 to index
    %get3A_145 = arith.constant 0 : index
    %get3A_146 = tpu.vector_load %arg5[%get3A_144, %get3A_145] {strides = array<i32>} : memref<20x16xf32, #tpu.memory_space<vmem>>, vector<1x16xf32>,
    %get3A_147 = vector.shape_cast %get3A_146 : vector<1x16xf32> to vector<16xf32>
    %add3A_148 = arith.addf %sub3A_30, %get3A_147 : vector<16xf32>
    %lt3A_149 = arith.cmpf olt, %mul3A_141, %add3A_148 : vector<16xf32>
    %select_n3A_150 = arith.select %lt3A_149, %add3A_126, %broadcast_in_dim3A_19 : vector<16xi1>, vector<16xi32>
    %select_n3A_151 = arith.select %lt3A_142, %add3A_135, %broadcast_in_dim3A_19 : vector<16xi1>, vector<16xi32>
    %add3A_152 = arith.addi %select_n3A_150, %select_n3A_151 : vector<16xi32>
    %swap3A = arith.constant 0 : i32
    %swap3A_153 = arith.index_cast %swap3A : i32 to index
    %swap3A_154 = arith.constant 0 : index
    %swap3A_155 = tpu.vector_load %arg6[%swap3A_153, %swap3A_154] {strides = array<i32>} : memref<4x32xi32, #tpu.memory_space<vmem>>, vector<1x16xi32>,
    %swap3A_156 = vector.shape_cast %swap3A_155 : vector<1x16xi32> to vector<16xi32>
    %swap3A_157 = vector.shape_cast %add3A_152 : vector<16xi32> to vector<1x16xi32>
    tpu.vector_store %arg6[%swap3A_153, %swap3A_154], %swap3A_157 {strides = array<i32>} : memref<4x32xi32, #tpu.memory_space<vmem>>, vector<1x16xi32>,
    %get3A_158 = arith.constant 13 : i32
    %get3A_159 = arith.index_cast %get3A_158 : i32 to index
    %get3A_160 = arith.constant 0 : index
    %get3A_161 = tpu.vector_load %arg5[%get3A_159, %get3A_160] {strides = array<i32>} : memref<20x16xf32, #tpu.memory_space<vmem>>, vector<1x16xf32>,
    %get3A_162 = vector.shape_cast %get3A_161 : vector<1x16xf32> to vector<16xf32>
    %mul3A_163 = arith.mulf %get3A_162, %get3A_6 : vector<16xf32>
    %lt3A_164 = arith.cmpf olt, %mul3A_163, %sub3A_24 : vector<16xf32>
    %lt3A_165 = arith.cmpf olt, %mul3A_163, %sub3A_30 : vector<16xf32>
    %select_n3A_166 = arith.select %lt3A_165, %add3A_126, %broadcast_in_dim3A_19 : vector<16xi1>, vector<16xi32>
    %select_n3A_167 = arith.select %lt3A_164, %add3A_135, %broadcast_in_dim3A_19 : vector<16xi1>, vector<16xi32>
    %add3A_168 = arith.addi %select_n3A_166, %select_n3A_167 : vector<16xi32>
    %swap3A_169 = arith.constant 0 : i32
    %swap3A_170 = arith.index_cast %swap3A_169 : i32 to index
    %swap3A_171 = arith.constant 16 : index
    %swap3A_172 = tpu.vector_load %arg6[%swap3A_170, %swap3A_171] {strides = array<i32>} : memref<4x32xi32, #tpu.memory_space<vmem>>, vector<1x16xi32>,
    %swap3A_173 = vector.shape_cast %swap3A_172 : vector<1x16xi32> to vector<16xi32>
    %swap3A_174 = vector.shape_cast %add3A_168 : vector<16xi32> to vector<1x16xi32>
    tpu.vector_store %arg6[%swap3A_170, %swap3A_171], %swap3A_174 {strides = array<i32>} : memref<4x32xi32, #tpu.memory_space<vmem>>, vector<1x16xi32>,
    %get3A_175 = arith.constant 14 : i32
    %get3A_176 = arith.index_cast %get3A_175 : i32 to index
    %get3A_177 = arith.constant 0 : index
    %get3A_178 = tpu.vector_load %arg5[%get3A_176, %get3A_177] {strides = array<i32>} : memref<20x16xf32, #tpu.memory_space<vmem>>, vector<1x16xf32>,
    %get3A_179 = vector.shape_cast %get3A_178 : vector<1x16xf32> to vector<16xf32>
    %mul3A_180 = arith.mulf %get3A_179, %get3A_6 : vector<16xf32>
    %lt3A_181 = arith.cmpf olt, %mul3A_180, %sub3A_24 : vector<16xf32>
    %lt3A_182 = arith.cmpf olt, %mul3A_180, %sub3A_30 : vector<16xf32>
    %select_n3A_183 = arith.select %lt3A_182, %add3A_126, %broadcast_in_dim3A_19 : vector<16xi1>, vector<16xi32>
    %select_n3A_184 = arith.select %lt3A_181, %add3A_135, %broadcast_in_dim3A_19 : vector<16xi1>, vector<16xi32>
    %add3A_185 = arith.addi %select_n3A_183, %select_n3A_184 : vector<16xi32>
    %swap3A_186 = arith.constant 1 : i32
    %swap3A_187 = arith.index_cast %swap3A_186 : i32 to index
    %swap3A_188 = arith.constant 0 : index
    %swap3A_189 = tpu.vector_load %arg6[%swap3A_187, %swap3A_188] {strides = array<i32>} : memref<4x32xi32, #tpu.memory_space<vmem>>, vector<1x16xi32>,
    %swap3A_190 = vector.shape_cast %swap3A_189 : vector<1x16xi32> to vector<16xi32>
    %swap3A_191 = vector.shape_cast %add3A_185 : vector<16xi32> to vector<1x16xi32>
    tpu.vector_store %arg6[%swap3A_187, %swap3A_188], %swap3A_191 {strides = array<i32>} : memref<4x32xi32, #tpu.memory_space<vmem>>, vector<1x16xi32>,
    %get3A_192 = arith.constant 15 : i32
    %get3A_193 = arith.index_cast %get3A_192 : i32 to index
    %get3A_194 = arith.constant 0 : index
    %get3A_195 = tpu.vector_load %arg5[%get3A_193, %get3A_194] {strides = array<i32>} : memref<20x16xf32, #tpu.memory_space<vmem>>, vector<1x16xf32>,
    %get3A_196 = vector.shape_cast %get3A_195 : vector<1x16xf32> to vector<16xf32>
    %mul3A_197 = arith.mulf %get3A_196, %get3A_6 : vector<16xf32>
    %lt3A_198 = arith.cmpf olt, %mul3A_197, %sub3A_24 : vector<16xf32>
    %lt3A_199 = arith.cmpf olt, %mul3A_197, %sub3A_30 : vector<16xf32>
    %select_n3A_200 = arith.select %lt3A_199, %add3A_126, %broadcast_in_dim3A_19 : vector<16xi1>, vector<16xi32>
    %select_n3A_201 = arith.select %lt3A_198, %add3A_135, %broadcast_in_dim3A_19 : vector<16xi1>, vector<16xi32>
    %add3A_202 = arith.addi %select_n3A_200, %select_n3A_201 : vector<16xi32>
    %swap3A_203 = arith.constant 1 : i32
    %swap3A_204 = arith.index_cast %swap3A_203 : i32 to index
    %swap3A_205 = arith.constant 16 : index
    %swap3A_206 = tpu.vector_load %arg6[%swap3A_204, %swap3A_205] {strides = array<i32>} : memref<4x32xi32, #tpu.memory_space<vmem>>, vector<1x16xi32>,
    %swap3A_207 = vector.shape_cast %swap3A_206 : vector<1x16xi32> to vector<16xi32>
    %swap3A_208 = vector.shape_cast %add3A_202 : vector<16xi32> to vector<1x16xi32>
    tpu.vector_store %arg6[%swap3A_204, %swap3A_205], %swap3A_208 {strides = array<i32>} : memref<4x32xi32, #tpu.memory_space<vmem>>, vector<1x16xi32>,
    %get3A_209 = arith.constant 16 : i32
    %get3A_210 = arith.index_cast %get3A_209 : i32 to index
    %get3A_211 = arith.constant 0 : index
    %get3A_212 = tpu.vector_load %arg5[%get3A_210, %get3A_211] {strides = array<i32>} : memref<20x16xf32, #tpu.memory_space<vmem>>, vector<1x16xf32>,
    %get3A_213 = vector.shape_cast %get3A_212 : vector<1x16xf32> to vector<16xf32>
    %mul3A_214 = arith.mulf %get3A_213, %get3A_6 : vector<16xf32>
    %lt3A_215 = arith.cmpf olt, %mul3A_214, %sub3A_24 : vector<16xf32>
    %lt3A_216 = arith.cmpf olt, %mul3A_214, %sub3A_30 : vector<16xf32>
    %select_n3A_217 = arith.select %lt3A_216, %add3A_126, %broadcast_in_dim3A_19 : vector<16xi1>, vector<16xi32>
    %select_n3A_218 = arith.select %lt3A_215, %add3A_135, %broadcast_in_dim3A_19 : vector<16xi1>, vector<16xi32>
    %add3A_219 = arith.addi %select_n3A_217, %select_n3A_218 : vector<16xi32>
    %swap3A_220 = arith.constant 2 : i32
    %swap3A_221 = arith.index_cast %swap3A_220 : i32 to index
    %swap3A_222 = arith.constant 0 : index
    %swap3A_223 = tpu.vector_load %arg6[%swap3A_221, %swap3A_222] {strides = array<i32>} : memref<4x32xi32, #tpu.memory_space<vmem>>, vector<1x16xi32>,
    %swap3A_224 = vector.shape_cast %swap3A_223 : vector<1x16xi32> to vector<16xi32>
    %swap3A_225 = vector.shape_cast %add3A_219 : vector<16xi32> to vector<1x16xi32>
    tpu.vector_store %arg6[%swap3A_221, %swap3A_222], %swap3A_225 {strides = array<i32>} : memref<4x32xi32, #tpu.memory_space<vmem>>, vector<1x16xi32>,
    %get3A_226 = arith.constant 17 : i32
    %get3A_227 = arith.index_cast %get3A_226 : i32 to index
    %get3A_228 = arith.constant 0 : index
    %get3A_229 = tpu.vector_load %arg5[%get3A_227, %get3A_228] {strides = array<i32>} : memref<20x16xf32, #tpu.memory_space<vmem>>, vector<1x16xf32>,
    %get3A_230 = vector.shape_cast %get3A_229 : vector<1x16xf32> to vector<16xf32>
    %mul3A_231 = arith.mulf %get3A_230, %get3A_6 : vector<16xf32>
    %lt3A_232 = arith.cmpf olt, %mul3A_231, %sub3A_24 : vector<16xf32>
    %lt3A_233 = arith.cmpf olt, %mul3A_231, %sub3A_30 : vector<16xf32>
    %select_n3A_234 = arith.select %lt3A_233, %add3A_126, %broadcast_in_dim3A_19 : vector<16xi1>, vector<16xi32>
    %select_n3A_235 = arith.select %lt3A_232, %add3A_135, %broadcast_in_dim3A_19 : vector<16xi1>, vector<16xi32>
    %add3A_236 = arith.addi %select_n3A_234, %select_n3A_235 : vector<16xi32>
    %swap3A_237 = arith.constant 2 : i32
    %swap3A_238 = arith.index_cast %swap3A_237 : i32 to index
    %swap3A_239 = arith.constant 16 : index
    %swap3A_240 = tpu.vector_load %arg6[%swap3A_238, %swap3A_239] {strides = array<i32>} : memref<4x32xi32, #tpu.memory_space<vmem>>, vector<1x16xi32>,
    %swap3A_241 = vector.shape_cast %swap3A_240 : vector<1x16xi32> to vector<16xi32>
    %swap3A_242 = vector.shape_cast %add3A_236 : vector<16xi32> to vector<1x16xi32>
    tpu.vector_store %arg6[%swap3A_238, %swap3A_239], %swap3A_242 {strides = array<i32>} : memref<4x32xi32, #tpu.memory_space<vmem>>, vector<1x16xi32>,
    %get3A_243 = arith.constant 18 : i32
    %get3A_244 = arith.index_cast %get3A_243 : i32 to index
    %get3A_245 = arith.constant 0 : index
    %get3A_246 = tpu.vector_load %arg5[%get3A_244, %get3A_245] {strides = array<i32>} : memref<20x16xf32, #tpu.memory_space<vmem>>, vector<1x16xf32>,
    %get3A_247 = vector.shape_cast %get3A_246 : vector<1x16xf32> to vector<16xf32>
    %mul3A_248 = arith.mulf %get3A_247, %get3A_6 : vector<16xf32>
    %lt3A_249 = arith.cmpf olt, %mul3A_248, %sub3A_24 : vector<16xf32>
    %lt3A_250 = arith.cmpf olt, %mul3A_248, %sub3A_30 : vector<16xf32>
    %select_n3A_251 = arith.select %lt3A_250, %add3A_126, %broadcast_in_dim3A_19 : vector<16xi1>, vector<16xi32>
    %select_n3A_252 = arith.select %lt3A_249, %add3A_135, %broadcast_in_dim3A_19 : vector<16xi1>, vector<16xi32>
    %add3A_253 = arith.addi %select_n3A_251, %select_n3A_252 : vector<16xi32>
    %swap3A_254 = arith.constant 3 : i32
    %swap3A_255 = arith.index_cast %swap3A_254 : i32 to index
    %swap3A_256 = arith.constant 0 : index
    %swap3A_257 = tpu.vector_load %arg6[%swap3A_255, %swap3A_256] {strides = array<i32>} : memref<4x32xi32, #tpu.memory_space<vmem>>, vector<1x16xi32>,
    %swap3A_258 = vector.shape_cast %swap3A_257 : vector<1x16xi32> to vector<16xi32>
    %swap3A_259 = vector.shape_cast %add3A_253 : vector<16xi32> to vector<1x16xi32>
    tpu.vector_store %arg6[%swap3A_255, %swap3A_256], %swap3A_259 {strides = array<i32>} : memref<4x32xi32, #tpu.memory_space<vmem>>, vector<1x16xi32>,
    %get3A_260 = arith.constant 19 : i32
    %get3A_261 = arith.index_cast %get3A_260 : i32 to index
    %get3A_262 = arith.constant 0 : index
    %get3A_263 = tpu.vector_load %arg5[%get3A_261, %get3A_262] {strides = array<i32>} : memref<20x16xf32, #tpu.memory_space<vmem>>, vector<1x16xf32>,
    %get3A_264 = vector.shape_cast %get3A_263 : vector<1x16xf32> to vector<16xf32>
    %mul3A_265 = arith.mulf %get3A_264, %get3A_6 : vector<16xf32>
    %lt3A_266 = arith.cmpf olt, %mul3A_265, %sub3A_24 : vector<16xf32>
    %get3A_267 = arith.constant 4 : i32
    %get3A_268 = arith.index_cast %get3A_267 : i32 to index
    %get3A_269 = arith.constant 0 : index
    %get3A_270 = tpu.vector_load %arg5[%get3A_268, %get3A_269] {strides = array<i32>} : memref<20x16xf32, #tpu.memory_space<vmem>>, vector<1x16xf32>,
    %get3A_271 = vector.shape_cast %get3A_270 : vector<1x16xf32> to vector<16xf32>
    %add3A_272 = arith.addf %sub3A_30, %get3A_271 : vector<16xf32>
    %lt3A_273 = arith.cmpf olt, %mul3A_265, %add3A_272 : vector<16xf32>
    %select_n3A_274 = arith.select %lt3A_273, %add3A_126, %broadcast_in_dim3A_19 : vector<16xi1>, vector<16xi32>
    %select_n3A_275 = arith.select %lt3A_266, %add3A_135, %broadcast_in_dim3A_19 : vector<16xi1>, vector<16xi32>
    %add3A_276 = arith.addi %select_n3A_274, %select_n3A_275 : vector<16xi32>
    %swap3A_277 = arith.constant 3 : i32
    %swap3A_278 = arith.index_cast %swap3A_277 : i32 to index
    %swap3A_279 = arith.constant 16 : index
    %swap3A_280 = tpu.vector_load %arg6[%swap3A_278, %swap3A_279] {strides = array<i32>} : memref<4x32xi32, #tpu.memory_space<vmem>>, vector<1x16xi32>,
    %swap3A_281 = vector.shape_cast %swap3A_280 : vector<1x16xi32> to vector<16xi32>
    %swap3A_282 = vector.shape_cast %add3A_276 : vector<16xi32> to vector<1x16xi32>
    tpu.vector_store %arg6[%swap3A_278, %swap3A_279], %swap3A_282 {strides = array<i32>} : memref<4x32xi32, #tpu.memory_space<vmem>>, vector<1x16xi32>,
    %dma_start3A = arith.constant 0 : i32
    %dma_start3A_283 = arith.constant 0 : i32
    %dma_start3A_284 = arith.constant 0 : i32
    %dma_start3A_285 = tpu.memref_slice %arg7[%dma_start3A_283, %dma_start3A_284] : memref<128x512xf32, #tpu.memory_space<vmem>> -> memref<32x512xf32, #tpu.memory_space<vmem>>
    %dma_start3A_286 = arith.constant 0 : i32
    %dma_start3A_287 = tpu.memref_slice %arg6[%dma_start3A, %dma_start3A_286] : memref<4x32xi32, #tpu.memory_space<vmem>> -> memref<1x32xi32, #tpu.memory_space<vmem>>
    %dma_start3A_288 = tpu.memref_squeeze %dma_start3A_287 : memref<1x32xi32, #tpu.memory_space<vmem>> -> memref<32xi32, #tpu.memory_space<vmem>>
    %dma_start3A_289 = arith.constant 0 : i32
    %dma_start3A_290 = arith.constant 0 : i32
    %dma_start3A_291 = tpu.memref_slice %arg3[%add3A, %dma_start3A_289, %dma_start3A_290] : memref<32x81x512xf32, #tpu.memory_space<hbm>> -> memref<1x81x512xf32, #tpu.memory_space<hbm>>
    %dma_start3A_292 = tpu.memref_squeeze %dma_start3A_291 : memref<1x81x512xf32, #tpu.memory_space<hbm>> -> memref<81x512xf32, #tpu.memory_space<hbm>>
    %dma_start3A_293 = arith.constant 0 : i32
    %dma_start3A_294 = arith.constant 0 : i32
    %dma_start3A_295 = tpu.memref_slice %dma_start3A_292[%dma_start3A_293, %dma_start3A_294] : memref<81x512xf32, #tpu.memory_space<hbm>> -> memref<81x512xf32, #tpu.memory_space<hbm>>
    tpu.enqueue_indirect_dma source(%dma_start3A_295 : memref<81x512xf32, #tpu.memory_space<hbm>>) target(%dma_start3A_285 : memref<32x512xf32, #tpu.memory_space<vmem>>) offsets(%dma_start3A_288 : memref<32xi32, #tpu.memory_space<vmem>>) semaphore(%arg8 : memref<!tpu.dma_semaphore, #tpu.memory_space<semaphore_mem>>)
    %dma_start3A_296 = arith.constant 1 : i32
    %dma_start3A_297 = arith.constant 32 : i32
    %dma_start3A_298 = arith.constant 0 : i32
    %dma_start3A_299 = tpu.memref_slice %arg7[%dma_start3A_297, %dma_start3A_298] : memref<128x512xf32, #tpu.memory_space<vmem>> -> memref<32x512xf32, #tpu.memory_space<vmem>>
    %dma_start3A_300 = arith.constant 0 : i32
    %dma_start3A_301 = tpu.memref_slice %arg6[%dma_start3A_296, %dma_start3A_300] : memref<4x32xi32, #tpu.memory_space<vmem>> -> memref<1x32xi32, #tpu.memory_space<vmem>>
    %dma_start3A_302 = tpu.memref_squeeze %dma_start3A_301 : memref<1x32xi32, #tpu.memory_space<vmem>> -> memref<32xi32, #tpu.memory_space<vmem>>
    %dma_start3A_303 = arith.constant 0 : i32
    %dma_start3A_304 = arith.constant 0 : i32
    %dma_start3A_305 = tpu.memref_slice %arg3[%add3A, %dma_start3A_303, %dma_start3A_304] : memref<32x81x512xf32, #tpu.memory_space<hbm>> -> memref<1x81x512xf32, #tpu.memory_space<hbm>>
    %dma_start3A_306 = tpu.memref_squeeze %dma_start3A_305 : memref<1x81x512xf32, #tpu.memory_space<hbm>> -> memref<81x512xf32, #tpu.memory_space<hbm>>
    %dma_start3A_307 = arith.constant 0 : i32
    %dma_start3A_308 = arith.constant 0 : i32
    %dma_start3A_309 = tpu.memref_slice %dma_start3A_306[%dma_start3A_307, %dma_start3A_308] : memref<81x512xf32, #tpu.memory_space<hbm>> -> memref<81x512xf32, #tpu.memory_space<hbm>>
    tpu.enqueue_indirect_dma source(%dma_start3A_309 : memref<81x512xf32, #tpu.memory_space<hbm>>) target(%dma_start3A_299 : memref<32x512xf32, #tpu.memory_space<vmem>>) offsets(%dma_start3A_302 : memref<32xi32, #tpu.memory_space<vmem>>) semaphore(%arg8 : memref<!tpu.dma_semaphore, #tpu.memory_space<semaphore_mem>>)
    %dma_start3A_310 = arith.constant 2 : i32
    %dma_start3A_311 = arith.constant 64 : i32
    %dma_start3A_312 = arith.constant 0 : i32
    %dma_start3A_313 = tpu.memref_slice %arg7[%dma_start3A_311, %dma_start3A_312] : memref<128x512xf32, #tpu.memory_space<vmem>> -> memref<32x512xf32, #tpu.memory_space<vmem>>
    %dma_start3A_314 = arith.constant 0 : i32
    %dma_start3A_315 = tpu.memref_slice %arg6[%dma_start3A_310, %dma_start3A_314] : memref<4x32xi32, #tpu.memory_space<vmem>> -> memref<1x32xi32, #tpu.memory_space<vmem>>
    %dma_start3A_316 = tpu.memref_squeeze %dma_start3A_315 : memref<1x32xi32, #tpu.memory_space<vmem>> -> memref<32xi32, #tpu.memory_space<vmem>>
    %dma_start3A_317 = arith.constant 0 : i32
    %dma_start3A_318 = arith.constant 0 : i32
    %dma_start3A_319 = tpu.memref_slice %arg3[%add3A, %dma_start3A_317, %dma_start3A_318] : memref<32x81x512xf32, #tpu.memory_space<hbm>> -> memref<1x81x512xf32, #tpu.memory_space<hbm>>
    %dma_start3A_320 = tpu.memref_squeeze %dma_start3A_319 : memref<1x81x512xf32, #tpu.memory_space<hbm>> -> memref<81x512xf32, #tpu.memory_space<hbm>>
    %dma_start3A_321 = arith.constant 0 : i32
    %dma_start3A_322 = arith.constant 0 : i32
    %dma_start3A_323 = tpu.memref_slice %dma_start3A_320[%dma_start3A_321, %dma_start3A_322] : memref<81x512xf32, #tpu.memory_space<hbm>> -> memref<81x512xf32, #tpu.memory_space<hbm>>
    tpu.enqueue_indirect_dma source(%dma_start3A_323 : memref<81x512xf32, #tpu.memory_space<hbm>>) target(%dma_start3A_313 : memref<32x512xf32, #tpu.memory_space<vmem>>) offsets(%dma_start3A_316 : memref<32xi32, #tpu.memory_space<vmem>>) semaphore(%arg8 : memref<!tpu.dma_semaphore, #tpu.memory_space<semaphore_mem>>)
    %dma_start3A_324 = arith.constant 3 : i32
    %dma_start3A_325 = arith.constant 96 : i32
    %dma_start3A_326 = arith.constant 0 : i32
    %dma_start3A_327 = tpu.memref_slice %arg7[%dma_start3A_325, %dma_start3A_326] : memref<128x512xf32, #tpu.memory_space<vmem>> -> memref<32x512xf32, #tpu.memory_space<vmem>>
    %dma_start3A_328 = arith.constant 0 : i32
    %dma_start3A_329 = tpu.memref_slice %arg6[%dma_start3A_324, %dma_start3A_328] : memref<4x32xi32, #tpu.memory_space<vmem>> -> memref<1x32xi32, #tpu.memory_space<vmem>>
    %dma_start3A_330 = tpu.memref_squeeze %dma_start3A_329 : memref<1x32xi32, #tpu.memory_space<vmem>> -> memref<32xi32, #tpu.memory_space<vmem>>
    %dma_start3A_331 = arith.constant 0 : i32
    %dma_start3A_332 = arith.constant 0 : i32
    %dma_start3A_333 = tpu.memref_slice %arg3[%add3A, %dma_start3A_331, %dma_start3A_332] : memref<32x81x512xf32, #tpu.memory_space<hbm>> -> memref<1x81x512xf32, #tpu.memory_space<hbm>>
    %dma_start3A_334 = tpu.memref_squeeze %dma_start3A_333 : memref<1x81x512xf32, #tpu.memory_space<hbm>> -> memref<81x512xf32, #tpu.memory_space<hbm>>
    %dma_start3A_335 = arith.constant 0 : i32
    %dma_start3A_336 = arith.constant 0 : i32
    %dma_start3A_337 = tpu.memref_slice %dma_start3A_334[%dma_start3A_335, %dma_start3A_336] : memref<81x512xf32, #tpu.memory_space<hbm>> -> memref<81x512xf32, #tpu.memory_space<hbm>>
    tpu.enqueue_indirect_dma source(%dma_start3A_337 : memref<81x512xf32, #tpu.memory_space<hbm>>) target(%dma_start3A_327 : memref<32x512xf32, #tpu.memory_space<vmem>>) offsets(%dma_start3A_330 : memref<32xi32, #tpu.memory_space<vmem>>) semaphore(%arg8 : memref<!tpu.dma_semaphore, #tpu.memory_space<semaphore_mem>>)
    %dma_wait3A = arith.constant 0 : i32
    %dma_wait3A_338 = arith.constant 0 : i32
    %dma_wait3A_339 = arith.constant 0 : i32
    %dma_wait3A_340 = tpu.memref_slice %arg7[%dma_wait3A_338, %dma_wait3A_339] : memref<128x512xf32, #tpu.memory_space<vmem>> -> memref<32x512xf32, #tpu.memory_space<vmem>>
    %dma_wait3A_341 = arith.constant 0 : i32
    %dma_wait3A_342 = tpu.memref_slice %arg6[%dma_wait3A, %dma_wait3A_341] : memref<4x32xi32, #tpu.memory_space<vmem>> -> memref<1x32xi32, #tpu.memory_space<vmem>>
    %dma_wait3A_343 = tpu.memref_squeeze %dma_wait3A_342 : memref<1x32xi32, #tpu.memory_space<vmem>> -> memref<32xi32, #tpu.memory_space<vmem>>
    %dma_wait3A_344 = arith.constant 0 : i32
    %dma_wait3A_345 = arith.constant 0 : i32
    %dma_wait3A_346 = tpu.memref_slice %arg3[%add3A, %dma_wait3A_344, %dma_wait3A_345] : memref<32x81x512xf32, #tpu.memory_space<hbm>> -> memref<1x81x512xf32, #tpu.memory_space<hbm>>
    %dma_wait3A_347 = tpu.memref_squeeze %dma_wait3A_346 : memref<1x81x512xf32, #tpu.memory_space<hbm>> -> memref<81x512xf32, #tpu.memory_space<hbm>>
    %dma_wait3A_348 = arith.constant 0 : i32
    %dma_wait3A_349 = arith.constant 0 : i32
    %dma_wait3A_350 = tpu.memref_slice %dma_wait3A_347[%dma_wait3A_348, %dma_wait3A_349] : memref<81x512xf32, #tpu.memory_space<hbm>> -> memref<81x512xf32, #tpu.memory_space<hbm>>
    tpu.wait_indirect_dma semaphore(%arg8 : memref<!tpu.dma_semaphore, #tpu.memory_space<semaphore_mem>>) src(%dma_wait3A_350 : memref<81x512xf32, #tpu.memory_space<hbm>>) dst(%dma_wait3A_340 : memref<32x512xf32, #tpu.memory_space<vmem>>)
    %add3A_351 = arith.constant 0 : i32
    %add3A_352 = arith.addi %mul3A_2, %add3A_351 : i32
    %dma_start3A_353 = arith.constant 0 : i32
    %dma_start3A_354 = arith.constant 0 : i32
    %dma_start3A_355 = tpu.memref_slice %arg7[%dma_start3A_353, %dma_start3A_354] : memref<128x512xf32, #tpu.memory_space<vmem>> -> memref<32x512xf32, #tpu.memory_space<vmem>>
    %dma_start3A_356 = arith.constant 0 : i32
    %dma_start3A_357 = tpu.memref_slice %arg4[%add3A_352, %dma_start3A_356] : memref<4096x512xf32, #tpu.memory_space<hbm>> -> memref<32x512xf32, #tpu.memory_space<hbm>>
    %dma_start3A_358 = arith.constant 0 : i32
    %dma_start3A_359 = tpu.memref_slice %arg4[%add3A_352, %dma_start3A_358] : memref<4096x512xf32, #tpu.memory_space<hbm>> -> memref<32x512xf32, #tpu.memory_space<hbm>>
    %dma_start3A_360 = arith.constant 0 : i32
    %dma_start3A_361 = arith.constant 0 : i32
    %dma_start3A_362 = tpu.memref_slice %arg7[%dma_start3A_360, %dma_start3A_361] : memref<128x512xf32, #tpu.memory_space<vmem>> -> memref<32x512xf32, #tpu.memory_space<vmem>>
    tpu.enqueue_dma source(%dma_start3A_362 : memref<32x512xf32, #tpu.memory_space<vmem>>) target(%dma_start3A_359 : memref<32x512xf32, #tpu.memory_space<hbm>>) target_semaphore(%arg9 : memref<!tpu.dma_semaphore, #tpu.memory_space<semaphore_mem>>)
    %dma_wait3A_363 = arith.constant 1 : i32
    %dma_wait3A_364 = arith.constant 32 : i32
    %dma_wait3A_365 = arith.constant 0 : i32
    %dma_wait3A_366 = tpu.memref_slice %arg7[%dma_wait3A_364, %dma_wait3A_365] : memref<128x512xf32, #tpu.memory_space<vmem>> -> memref<32x512xf32, #tpu.memory_space<vmem>>
    %dma_wait3A_367 = arith.constant 0 : i32
    %dma_wait3A_368 = tpu.memref_slice %arg6[%dma_wait3A_363, %dma_wait3A_367] : memref<4x32xi32, #tpu.memory_space<vmem>> -> memref<1x32xi32, #tpu.memory_space<vmem>>
    %dma_wait3A_369 = tpu.memref_squeeze %dma_wait3A_368 : memref<1x32xi32, #tpu.memory_space<vmem>> -> memref<32xi32, #tpu.memory_space<vmem>>
    %dma_wait3A_370 = arith.constant 0 : i32
    %dma_wait3A_371 = arith.constant 0 : i32
    %dma_wait3A_372 = tpu.memref_slice %arg3[%add3A, %dma_wait3A_370, %dma_wait3A_371] : memref<32x81x512xf32, #tpu.memory_space<hbm>> -> memref<1x81x512xf32, #tpu.memory_space<hbm>>
    %dma_wait3A_373 = tpu.memref_squeeze %dma_wait3A_372 : memref<1x81x512xf32, #tpu.memory_space<hbm>> -> memref<81x512xf32, #tpu.memory_space<hbm>>
    %dma_wait3A_374 = arith.constant 0 : i32
    %dma_wait3A_375 = arith.constant 0 : i32
    %dma_wait3A_376 = tpu.memref_slice %dma_wait3A_373[%dma_wait3A_374, %dma_wait3A_375] : memref<81x512xf32, #tpu.memory_space<hbm>> -> memref<81x512xf32, #tpu.memory_space<hbm>>
    tpu.wait_indirect_dma semaphore(%arg8 : memref<!tpu.dma_semaphore, #tpu.memory_space<semaphore_mem>>) src(%dma_wait3A_376 : memref<81x512xf32, #tpu.memory_space<hbm>>) dst(%dma_wait3A_366 : memref<32x512xf32, #tpu.memory_space<vmem>>)
    %add3A_377 = arith.constant 32 : i32
    %add3A_378 = arith.addi %mul3A_2, %add3A_377 : i32
    %dma_start3A_379 = arith.constant 32 : i32
    %dma_start3A_380 = arith.constant 0 : i32
    %dma_start3A_381 = tpu.memref_slice %arg7[%dma_start3A_379, %dma_start3A_380] : memref<128x512xf32, #tpu.memory_space<vmem>> -> memref<32x512xf32, #tpu.memory_space<vmem>>
    %dma_start3A_382 = arith.constant 0 : i32
    %dma_start3A_383 = tpu.memref_slice %arg4[%add3A_378, %dma_start3A_382] : memref<4096x512xf32, #tpu.memory_space<hbm>> -> memref<32x512xf32, #tpu.memory_space<hbm>>
    %dma_start3A_384 = arith.constant 0 : i32
    %dma_start3A_385 = tpu.memref_slice %arg4[%add3A_378, %dma_start3A_384] : memref<4096x512xf32, #tpu.memory_space<hbm>> -> memref<32x512xf32, #tpu.memory_space<hbm>>
    %dma_start3A_386 = arith.constant 32 : i32
    %dma_start3A_387 = arith.constant 0 : i32
    %dma_start3A_388 = tpu.memref_slice %arg7[%dma_start3A_386, %dma_start3A_387] : memref<128x512xf32, #tpu.memory_space<vmem>> -> memref<32x512xf32, #tpu.memory_space<vmem>>
    tpu.enqueue_dma source(%dma_start3A_388 : memref<32x512xf32, #tpu.memory_space<vmem>>) target(%dma_start3A_385 : memref<32x512xf32, #tpu.memory_space<hbm>>) target_semaphore(%arg9 : memref<!tpu.dma_semaphore, #tpu.memory_space<semaphore_mem>>)
    %dma_wait3A_389 = arith.constant 2 : i32
    %dma_wait3A_390 = arith.constant 64 : i32
    %dma_wait3A_391 = arith.constant 0 : i32
    %dma_wait3A_392 = tpu.memref_slice %arg7[%dma_wait3A_390, %dma_wait3A_391] : memref<128x512xf32, #tpu.memory_space<vmem>> -> memref<32x512xf32, #tpu.memory_space<vmem>>
    %dma_wait3A_393 = arith.constant 0 : i32
    %dma_wait3A_394 = tpu.memref_slice %arg6[%dma_wait3A_389, %dma_wait3A_393] : memref<4x32xi32, #tpu.memory_space<vmem>> -> memref<1x32xi32, #tpu.memory_space<vmem>>
    %dma_wait3A_395 = tpu.memref_squeeze %dma_wait3A_394 : memref<1x32xi32, #tpu.memory_space<vmem>> -> memref<32xi32, #tpu.memory_space<vmem>>
    %dma_wait3A_396 = arith.constant 0 : i32
    %dma_wait3A_397 = arith.constant 0 : i32
    %dma_wait3A_398 = tpu.memref_slice %arg3[%add3A, %dma_wait3A_396, %dma_wait3A_397] : memref<32x81x512xf32, #tpu.memory_space<hbm>> -> memref<1x81x512xf32, #tpu.memory_space<hbm>>
    %dma_wait3A_399 = tpu.memref_squeeze %dma_wait3A_398 : memref<1x81x512xf32, #tpu.memory_space<hbm>> -> memref<81x512xf32, #tpu.memory_space<hbm>>
    %dma_wait3A_400 = arith.constant 0 : i32
    %dma_wait3A_401 = arith.constant 0 : i32
    %dma_wait3A_402 = tpu.memref_slice %dma_wait3A_399[%dma_wait3A_400, %dma_wait3A_401] : memref<81x512xf32, #tpu.memory_space<hbm>> -> memref<81x512xf32, #tpu.memory_space<hbm>>
    tpu.wait_indirect_dma semaphore(%arg8 : memref<!tpu.dma_semaphore, #tpu.memory_space<semaphore_mem>>) src(%dma_wait3A_402 : memref<81x512xf32, #tpu.memory_space<hbm>>) dst(%dma_wait3A_392 : memref<32x512xf32, #tpu.memory_space<vmem>>)
    %add3A_403 = arith.constant 64 : i32
    %add3A_404 = arith.addi %mul3A_2, %add3A_403 : i32
    %dma_start3A_405 = arith.constant 64 : i32
    %dma_start3A_406 = arith.constant 0 : i32
    %dma_start3A_407 = tpu.memref_slice %arg7[%dma_start3A_405, %dma_start3A_406] : memref<128x512xf32, #tpu.memory_space<vmem>> -> memref<32x512xf32, #tpu.memory_space<vmem>>
    %dma_start3A_408 = arith.constant 0 : i32
    %dma_start3A_409 = tpu.memref_slice %arg4[%add3A_404, %dma_start3A_408] : memref<4096x512xf32, #tpu.memory_space<hbm>> -> memref<32x512xf32, #tpu.memory_space<hbm>>
    %dma_start3A_410 = arith.constant 0 : i32
    %dma_start3A_411 = tpu.memref_slice %arg4[%add3A_404, %dma_start3A_410] : memref<4096x512xf32, #tpu.memory_space<hbm>> -> memref<32x512xf32, #tpu.memory_space<hbm>>
    %dma_start3A_412 = arith.constant 64 : i32
    %dma_start3A_413 = arith.constant 0 : i32
    %dma_start3A_414 = tpu.memref_slice %arg7[%dma_start3A_412, %dma_start3A_413] : memref<128x512xf32, #tpu.memory_space<vmem>> -> memref<32x512xf32, #tpu.memory_space<vmem>>
    tpu.enqueue_dma source(%dma_start3A_414 : memref<32x512xf32, #tpu.memory_space<vmem>>) target(%dma_start3A_411 : memref<32x512xf32, #tpu.memory_space<hbm>>) target_semaphore(%arg9 : memref<!tpu.dma_semaphore, #tpu.memory_space<semaphore_mem>>)
    %dma_wait3A_415 = arith.constant 3 : i32
    %dma_wait3A_416 = arith.constant 96 : i32
    %dma_wait3A_417 = arith.constant 0 : i32
    %dma_wait3A_418 = tpu.memref_slice %arg7[%dma_wait3A_416, %dma_wait3A_417] : memref<128x512xf32, #tpu.memory_space<vmem>> -> memref<32x512xf32, #tpu.memory_space<vmem>>
    %dma_wait3A_419 = arith.constant 0 : i32
    %dma_wait3A_420 = tpu.memref_slice %arg6[%dma_wait3A_415, %dma_wait3A_419] : memref<4x32xi32, #tpu.memory_space<vmem>> -> memref<1x32xi32, #tpu.memory_space<vmem>>
    %dma_wait3A_421 = tpu.memref_squeeze %dma_wait3A_420 : memref<1x32xi32, #tpu.memory_space<vmem>> -> memref<32xi32, #tpu.memory_space<vmem>>
    %dma_wait3A_422 = arith.constant 0 : i32
    %dma_wait3A_423 = arith.constant 0 : i32
    %dma_wait3A_424 = tpu.memref_slice %arg3[%add3A, %dma_wait3A_422, %dma_wait3A_423] : memref<32x81x512xf32, #tpu.memory_space<hbm>> -> memref<1x81x512xf32, #tpu.memory_space<hbm>>
    %dma_wait3A_425 = tpu.memref_squeeze %dma_wait3A_424 : memref<1x81x512xf32, #tpu.memory_space<hbm>> -> memref<81x512xf32, #tpu.memory_space<hbm>>
    %dma_wait3A_426 = arith.constant 0 : i32
    %dma_wait3A_427 = arith.constant 0 : i32
    %dma_wait3A_428 = tpu.memref_slice %dma_wait3A_425[%dma_wait3A_426, %dma_wait3A_427] : memref<81x512xf32, #tpu.memory_space<hbm>> -> memref<81x512xf32, #tpu.memory_space<hbm>>
    tpu.wait_indirect_dma semaphore(%arg8 : memref<!tpu.dma_semaphore, #tpu.memory_space<semaphore_mem>>) src(%dma_wait3A_428 : memref<81x512xf32, #tpu.memory_space<hbm>>) dst(%dma_wait3A_418 : memref<32x512xf32, #tpu.memory_space<vmem>>)
    %add3A_429 = arith.constant 96 : i32
    %add3A_430 = arith.addi %mul3A_2, %add3A_429 : i32
    %dma_start3A_431 = arith.constant 96 : i32
    %dma_start3A_432 = arith.constant 0 : i32
    %dma_start3A_433 = tpu.memref_slice %arg7[%dma_start3A_431, %dma_start3A_432] : memref<128x512xf32, #tpu.memory_space<vmem>> -> memref<32x512xf32, #tpu.memory_space<vmem>>
    %dma_start3A_434 = arith.constant 0 : i32
    %dma_start3A_435 = tpu.memref_slice %arg4[%add3A_430, %dma_start3A_434] : memref<4096x512xf32, #tpu.memory_space<hbm>> -> memref<32x512xf32, #tpu.memory_space<hbm>>
    %dma_start3A_436 = arith.constant 0 : i32
    %dma_start3A_437 = tpu.memref_slice %arg4[%add3A_430, %dma_start3A_436] : memref<4096x512xf32, #tpu.memory_space<hbm>> -> memref<32x512xf32, #tpu.memory_space<hbm>>
    %dma_start3A_438 = arith.constant 96 : i32
    %dma_start3A_439 = arith.constant 0 : i32
    %dma_start3A_440 = tpu.memref_slice %arg7[%dma_start3A_438, %dma_start3A_439] : memref<128x512xf32, #tpu.memory_space<vmem>> -> memref<32x512xf32, #tpu.memory_space<vmem>>
    tpu.enqueue_dma source(%dma_start3A_440 : memref<32x512xf32, #tpu.memory_space<vmem>>) target(%dma_start3A_437 : memref<32x512xf32, #tpu.memory_space<hbm>>) target_semaphore(%arg9 : memref<!tpu.dma_semaphore, #tpu.memory_space<semaphore_mem>>)
    %dma_wait3A_441 = arith.constant 0 : i32
    %dma_wait3A_442 = arith.constant 0 : i32
    %dma_wait3A_443 = tpu.memref_slice %arg7[%dma_wait3A_441, %dma_wait3A_442] : memref<128x512xf32, #tpu.memory_space<vmem>> -> memref<32x512xf32, #tpu.memory_space<vmem>>
    %dma_wait3A_444 = arith.constant 0 : i32
    %dma_wait3A_445 = tpu.memref_slice %arg4[%add3A_352, %dma_wait3A_444] : memref<4096x512xf32, #tpu.memory_space<hbm>> -> memref<32x512xf32, #tpu.memory_space<hbm>>
    %dma_wait3A_446 = arith.constant 0 : i32
    %dma_wait3A_447 = tpu.memref_slice %arg4[%add3A_352, %dma_wait3A_446] : memref<4096x512xf32, #tpu.memory_space<hbm>> -> memref<32x512xf32, #tpu.memory_space<hbm>>
    %dma_wait3A_448 = arith.constant 0 : i32
    %dma_wait3A_449 = arith.constant 0 : i32
    %dma_wait3A_450 = tpu.memref_slice %arg7[%dma_wait3A_448, %dma_wait3A_449] : memref<128x512xf32, #tpu.memory_space<vmem>> -> memref<32x512xf32, #tpu.memory_space<vmem>>
    tpu.wait_dma2 semaphore(%arg9 : memref<!tpu.dma_semaphore, #tpu.memory_space<semaphore_mem>>) src(%dma_wait3A_450 : memref<32x512xf32, #tpu.memory_space<vmem>>) dst(%dma_wait3A_447 : memref<32x512xf32, #tpu.memory_space<hbm>>)
    %dma_wait3A_451 = arith.constant 32 : i32
    %dma_wait3A_452 = arith.constant 0 : i32
    %dma_wait3A_453 = tpu.memref_slice %arg7[%dma_wait3A_451, %dma_wait3A_452] : memref<128x512xf32, #tpu.memory_space<vmem>> -> memref<32x512xf32, #tpu.memory_space<vmem>>
    %dma_wait3A_454 = arith.constant 0 : i32
    %dma_wait3A_455 = tpu.memref_slice %arg4[%add3A_378, %dma_wait3A_454] : memref<4096x512xf32, #tpu.memory_space<hbm>> -> memref<32x512xf32, #tpu.memory_space<hbm>>
    %dma_wait3A_456 = arith.constant 0 : i32
    %dma_wait3A_457 = tpu.memref_slice %arg4[%add3A_378, %dma_wait3A_456] : memref<4096x512xf32, #tpu.memory_space<hbm>> -> memref<32x512xf32, #tpu.memory_space<hbm>>
    %dma_wait3A_458 = arith.constant 32 : i32
    %dma_wait3A_459 = arith.constant 0 : i32
    %dma_wait3A_460 = tpu.memref_slice %arg7[%dma_wait3A_458, %dma_wait3A_459] : memref<128x512xf32, #tpu.memory_space<vmem>> -> memref<32x512xf32, #tpu.memory_space<vmem>>
    tpu.wait_dma2 semaphore(%arg9 : memref<!tpu.dma_semaphore, #tpu.memory_space<semaphore_mem>>) src(%dma_wait3A_460 : memref<32x512xf32, #tpu.memory_space<vmem>>) dst(%dma_wait3A_457 : memref<32x512xf32, #tpu.memory_space<hbm>>)
    %dma_wait3A_461 = arith.constant 64 : i32
    %dma_wait3A_462 = arith.constant 0 : i32
    %dma_wait3A_463 = tpu.memref_slice %arg7[%dma_wait3A_461, %dma_wait3A_462] : memref<128x512xf32, #tpu.memory_space<vmem>> -> memref<32x512xf32, #tpu.memory_space<vmem>>
    %dma_wait3A_464 = arith.constant 0 : i32
    %dma_wait3A_465 = tpu.memref_slice %arg4[%add3A_404, %dma_wait3A_464] : memref<4096x512xf32, #tpu.memory_space<hbm>> -> memref<32x512xf32, #tpu.memory_space<hbm>>
    %dma_wait3A_466 = arith.constant 0 : i32
    %dma_wait3A_467 = tpu.memref_slice %arg4[%add3A_404, %dma_wait3A_466] : memref<4096x512xf32, #tpu.memory_space<hbm>> -> memref<32x512xf32, #tpu.memory_space<hbm>>
    %dma_wait3A_468 = arith.constant 64 : i32
    %dma_wait3A_469 = arith.constant 0 : i32
    %dma_wait3A_470 = tpu.memref_slice %arg7[%dma_wait3A_468, %dma_wait3A_469] : memref<128x512xf32, #tpu.memory_space<vmem>> -> memref<32x512xf32, #tpu.memory_space<vmem>>
    tpu.wait_dma2 semaphore(%arg9 : memref<!tpu.dma_semaphore, #tpu.memory_space<semaphore_mem>>) src(%dma_wait3A_470 : memref<32x512xf32, #tpu.memory_space<vmem>>) dst(%dma_wait3A_467 : memref<32x512xf32, #tpu.memory_space<hbm>>)
    %dma_wait3A_471 = arith.constant 96 : i32
    %dma_wait3A_472 = arith.constant 0 : i32
    %dma_wait3A_473 = tpu.memref_slice %arg7[%dma_wait3A_471, %dma_wait3A_472] : memref<128x512xf32, #tpu.memory_space<vmem>> -> memref<32x512xf32, #tpu.memory_space<vmem>>
    %dma_wait3A_474 = arith.constant 0 : i32
    %dma_wait3A_475 = tpu.memref_slice %arg4[%add3A_430, %dma_wait3A_474] : memref<4096x512xf32, #tpu.memory_space<hbm>> -> memref<32x512xf32, #tpu.memory_space<hbm>>
    %dma_wait3A_476 = arith.constant 0 : i32
    %dma_wait3A_477 = tpu.memref_slice %arg4[%add3A_430, %dma_wait3A_476] : memref<4096x512xf32, #tpu.memory_space<hbm>> -> memref<32x512xf32, #tpu.memory_space<hbm>>
    %dma_wait3A_478 = arith.constant 96 : i32
    %dma_wait3A_479 = arith.constant 0 : i32
    %dma_wait3A_480 = tpu.memref_slice %arg7[%dma_wait3A_478, %dma_wait3A_479] : memref<128x512xf32, #tpu.memory_space<vmem>> -> memref<32x512xf32, #tpu.memory_space<vmem>>
    tpu.wait_dma2 semaphore(%arg9 : memref<!tpu.dma_semaphore, #tpu.memory_space<semaphore_mem>>) src(%dma_wait3A_480 : memref<32x512xf32, #tpu.memory_space<vmem>>) dst(%dma_wait3A_477 : memref<32x512xf32, #tpu.memory_space<hbm>>)
    return
  }
}

</mosaic_0001>

<sc_bundles>
// kernel: kernel.3.cloned.1.call-start
scs
__scs_entry_jumppad:
0x0: {  	(pc) =	sbr.rel $0x88, $3  }
0x1: {  	(tag) =	ssettag $0x0;
	lr =	simm.s32 $0x1  }
0x2: {  	[smem:$0x3F9F] =	sst lr;
	_ =	strace $0xD0000000  }
0x3: {  	_ = 	snop  }
0x4: {  	_ = 	snop  }
0x5: {  	_ = 	snop  }
0x6: {  	_ = 	snop  }
0x7: {  	_ = 	snop  }
__scs_overlays_trampoline_lowered:
0x8: {  	[smem:$0x3FAE] =	sst s0  }
0x9: {  	[smem:$0x3FAF] =	sst s1  }
0xa: {  	[smem:$0x3FB0] =	sst s2  }
0xb: {  	[smem:$0x3FB1] =	sst s3  }
0xc: {  	[smem:$0x3FB2] =	sst s4  }
0xd: {  	[smem:$0x3FB3] =	sst s5  }
0xe: {  	[smem:$0x3FB4] =	sst s6  }
0xf: {  	[smem:$0x3FB5] =	sst s7  }
0x10: {  	[smem:$0x3FB6] =	sst s8  }
0x11: {  	[smem:$0x3FB7] =	sst s9;
	s0 =	simm.s32 @!p0 $0x0  }
0x12: {  	s1 =	sld [smem:$0x3F9D];
	s0 =	simm.s32 @p0 $0x1  }
0x13: {  	[smem:$0x3FB8] =	sst s0;
	s0 =	simm.s32 @!p1 $0x0  }
0x14: {  	s2 =	sld [smem:$0x3F9C];
	s0 =	simm.s32 @p1 $0x1  }
0x15: {  	[smem:$0x3FB9] =	sst s0;
	s0 =	simm.s32 @!p2 $0x0  }
0x16: {  	s3 =	sld [smem:$0x3FDB];
	s0 =	simm.s32 @p2 $0x1  }
0x17: {  	s4 =	simm.s32 $0x1BF5;
	[smem:$0x3FBB] =	sst s0  }
0x18: {  	s0 =	sld [smem:$0x3F9E];
	_ =	swait.ge [sflag:s4], $0x0  }
0x19: {  	s7 =	sld [smem:$0x3F9F]  }
0x1a: {  	s8 =	sadd.s32 $0xFFFFE003, lr  }
0x1b: {  	s9 =	sadd.s32 $0xFFFFFEF7, lr;
	s5 =	simm.s32 $0xFFFFFFFF;
	p2 =	slt.u32 s8, $0xFFFFF086  }
0x1c: {  	p1 =	slt.u32 s9, $0xF7A;
	s5 =	simm.s32 @!p2 $0x0  }
0x1d: {  	s5 =	simm.s32 @p1 $0x1;
	p0 =	seq.s32 s7, s2  }
0x1e: {  	s7 =	smul.u32 @!p0 $0xF7A, s2;
	p2 =	seq.s32 @!p0 s5, $0x0  }
0x1f: {  	s9 =	smul.u32 $0xF7A, s1;
	s8 =	simm.s32 @!p0 $0x1BF5;
	p2 =	por !p2, p0  }
0x20: {  	[sflag:s8] =	ssyncset.s32 @!p0 $0xFFFFF086;
	s6 =	sadd.s32 @!p0 s3, s7;
	s7 =	simm.s32 @!p0 $0x108  }
0x21: {  	s3 =	sadd.s32 s3, s9;
	s6 =	sadd.s32 @!p0 $0x88, s6;
	s7 =	simm.s32 @p2 $0x1082  }
0x22: {  	[simem:s7], [sflag:s8] =	dma.local @!p0 [hbm:s6], $0xF7A  }
0x23: {  	s9 =	sor.u32 $0xD0000000, s2;
	s6 =	simm.s32 $0x108;
	_ =	swait.ge @!p0 [sflag:s8], $0x0  }
0x24: {  	s3 =	sadd.s32 $0x88, s3;
	s6 =	simm.s32 @!p1 $0x1082;
	[sflag:s4] =	ssyncset.s32 $0xFFFFF086  }
0x25: {  	[simem:s6], [sflag:s4] =	dma.local [hbm:s3], $0xF7A  }
0x26: {  	[smem:$0x3F9F] =	sst s1;
	(tag) =	ssettag s2;
	_ =	strace s9  }
0x27: {  	s1 =	sld [smem:$0x3FAF]  }
0x28: {  	s2 =	sld [smem:$0x3FB0]  }
0x29: {  	s4 =	sld [smem:$0x3FB2]  }
0x2a: {  	p0 =	seq.s32 s5, $0x0;
	s5 =	sld [smem:$0x3FB3]  }
0x2b: {  	s6 =	sld [smem:$0x3FB4]  }
0x2c: {  	s7 =	sld [smem:$0x3FB5]  }
0x2d: {  	s3 =	simm.s32 $0x108;
	s8 =	sld [smem:$0x3FB6]  }
0x2e: {  	s3 =	simm.s32 @!p0 $0x1082;
	s9 =	sld [smem:$0x3FB7]  }
0x2f: {  	lr =	sadd.s32 s0, s3;
	s0 =	sld [smem:$0x3FAE]  }
0x30: {  	s3 =	sld [smem:$0x3FB1]  }
0x31: {  	[smem:$0x3FBA] =	sst s10  }
0x32: {  	s10 =	sld [smem:$0x3FB8];
	_ =	sdelay $0x3  }
0x33: {  	p0 =	seq.s32 s10, $0x1;
	s10 =	sld [smem:$0x3FBA];
	_ =	sdelay $0x3  }
0x34: {  	[smem:$0x3FBA] =	sst s10  }
0x35: {  	s10 =	sld [smem:$0x3FB9];
	_ =	sdelay $0x3  }
0x36: {  	p1 =	seq.s32 s10, $0x1;
	s10 =	sld [smem:$0x3FBA];
	_ =	sdelay $0x3  }
0x37: {  	[smem:$0x3FBA] =	sst s10  }
0x38: {  	s10 =	sld [smem:$0x3FBB]  }
0x39: {  	_ = 	snop;
	(pc) =	sbr.ind lr, $3  }
0x3a: {  	_ = 	snop  }
0x3b: {  	_ = 	snop  }
0x3c: {  	p2 =	seq.s32 s10, $0x1;
	s10 =	sld [smem:$0x3FBA]  }
0x3d: {  	_ =	shalt  }
0x3e: {  	_ =	shalt  }
0x3f: {  	_ =	shalt  }
0x40: {  	_ =	shalt  }
0x41: {  	_ =	shalt  }
0x42: {  	_ =	shalt  }
0x43: {  	_ =	shalt  }
0x44: {  	_ =	shalt  }
0x45: {  	_ =	shalt  }
0x46: {  	_ =	shalt  }
0x47: {  	_ =	shalt  }
0x48: {  	_ =	shalt  }
0x49: {  	_ =	shalt  }
0x4a: {  	_ =	shalt  }
0x4b: {  	_ =	shalt  }
0x4c: {  	_ =	shalt  }
0x4d: {  	_ =	shalt  }
0x4e: {  	_ =	shalt  }
0x4f: {  	_ =	shalt  }
0x50: {  	_ =	shalt  }
0x51: {  	_ =	shalt  }
0x52: {  	_ =	shalt  }
0x53: {  	_ =	shalt  }
0x54: {  	_ =	shalt  }
0x55: {  	_ =	shalt  }
0x56: {  	_ =	shalt  }
0x57: {  	_ =	shalt  }
0x58: {  	_ =	shalt  }
0x59: {  	_ =	shalt  }
0x5a: {  	_ =	shalt  }
0x5b: {  	_ =	shalt  }
0x5c: {  	_ =	shalt  }
0x5d: {  	_ =	shalt  }
0x5e: {  	_ =	shalt  }
0x5f: {  	_ =	shalt  }
0x60: {  	_ =	shalt  }
0x61: {  	_ =	shalt  }
0x62: {  	_ =	shalt  }
0x63: {  	_ =	shalt  }
0x64: {  	_ =	shalt  }
0x65: {  	_ =	shalt  }
0x66: {  	_ =	shalt  }
0x67: {  	_ =	shalt  }
0x68: {  	_ =	shalt  }
0x69: {  	_ =	shalt  }
0x6a: {  	_ =	shalt  }
0x6b: {  	_ =	shalt  }
0x6c: {  	_ =	shalt  }
0x6d: {  	_ =	shalt  }
0x6e: {  	_ =	shalt  }
0x6f: {  	_ =	shalt  }
0x70: {  	_ =	shalt  }
0x71: {  	_ =	shalt  }
0x72: {  	_ =	shalt  }
0x73: {  	_ =	shalt  }
0x74: {  	_ =	shalt  }
0x75: {  	_ =	shalt  }
0x76: {  	_ =	shalt  }
0x77: {  	_ =	shalt  }
0x78: {  	_ =	shalt  }
0x79: {  	_ =	shalt  }
0x7a: {  	_ =	shalt  }
0x7b: {  	_ =	shalt  }
0x7c: {  	_ =	shalt  }
0x7d: {  	_ =	shalt  }
0x7e: {  	_ =	shalt  }
0x7f: {  	_ =	shalt  }
0x80: {  	_ =	shalt  }
0x81: {  	_ =	shalt  }
0x82: {  	_ =	shalt  }
0x83: {  	_ =	shalt  }
0x84: {  	_ =	shalt  }
0x85: {  	_ =	shalt  }
0x86: {  	_ =	shalt  }
0x87: {  	_ =	shalt  }
.Lfunc_end0:
.L_simem_size_0:
called_computation_lowered:
.L_overlay_start_0:
0x88: {  	s2 =	sld [smem:$0x3FD9]  }
0x89: {  	s3 =	sld [smem:$0x3FFE];
	_ =	sdelay $0x1  }
0x8a: {  	s1 =	srdreg.scid  }
0x8b: {  	s0 =	sand.u32 $0x1, s1  }
0x8c: {  	s17 =	sshll.u32 s0, $0xA;
	s2 =	sadd.s32 s3, s2  }
0x8d: {  	s2 =	sadd.s32 s2, s17  }
0x8e: {  	[smem:$0x3FC6] =	sst s2  }
0x8f: {  	_ = 	snop  }
0x90: {  	s2 =	sld [smem:$0x3FD0];
	(tm) =	ssettm $0x1  }
0x91: {  	s18 =	sld [smem:$0x3FFB];
	_ =	sdelay $0x3  }
0x92: {  	_ =	strace s18  }
0x93: {  	s3 =	sld [smem:$0x3FFC];
	_ =	sdelay $0x3  }
0x94: {  	_ =	strace s3  }
0x95: {  	s3 =	sld [smem:$0x3FFD];
	_ =	sdelay $0x3  }
0x96: {  	_ =	strace s3  }
0x97: {  	_ =	strace $0x8FFFFFFF  }
0x98: {  	s19 =	sld [smem:$0x3FDB];
	_ =	sdelay $0x1  }
0x99: {  	s4 =	simm.s32 $_scs_section_size  }
0x9a: {  	s5 =	simm.s32 $_size__tile_overlayer_lowered;
	s6 =	simm.s32 $_tile_overlayer_lowered  }
0x9b: {  	s22 =	simm.s32 $0x1BFF;
	s21 =	sshll.u32 s6, $0x1;
	s3 =	sadd.s32 s4, s19  }
0x9c: {  	s7 =	simm.s32 $0x0;
	s20 =	sshll.u32 s5, $0x1;
	s5 =	sadd.s32 s21, s3  }
0x9d: {  	[timem:s7], [sflag:s22] =	dma.local [hbm:s5], s20  }
0x9e: {  	_ =	swait.ge [sflag:s22], s20  }
0x9f: {  	s4 =	ssub.s32 $0x0, s20;
	[sflag:s22] =	ssyncset.done $0x0  }
0xa0: {  	[sflag:s22] =	ssyncadd.s32 s4;
	_ =	sdelay $0x1  }
0xa1: {  	s23 =	simm.s32 $0x1B8B  }
0xa2: {  	_ =	swait.ge [sflag:s23], $0x1  }
0xa3: {  	[sflag:s23] =	ssyncset.done $0x0  }
0xa4: {  	s25 =	simm.s32 $0x1B8E;
	s24 =	sld [smem:$0x3FFE];
	[sflag:s23] =	ssyncadd.s32 $0xFFFFFFFF  }
0xa5: {  	s26 =	simm.s32 $execute0_lowered;
	[smem:$0x3FD2] =	sst s25  }
0xa6: {  	s5 =	sshll.u32 s26, $0x1;
	_ =	strace $0x80000046;
	[dreg:$0x1] =	wrdreg $0xFFFFFFFF  }
0xa7: {  	s28 =	simm.s32 $_size_execute0_lowered;
	s3 =	sadd.s32 s3, s5;
	[dreg:$0x0] =	wrdreg $0x0  }
0xa8: {  	s5 =	sshll.u32 s28, $0x1;
	[dreg:$0x2] =	wrdreg s3  }
0xa9: {  	[dreg:$0x3] =	wrdreg s5  }
0xaa: {  	[dreg:$0x4] =	wrdreg $0xC0  }
0xab: {  	_ =	task [dreg:s7], $0x5FFFF  }
0xac: {  	[dreg:$0x1] =	wrdreg $0xFFFFFFFF  }
0xad: {  	[dreg:$0x0] =	wrdreg $0x60  }
0xae: {  	[dreg:$0x2] =	wrdreg s24  }
0xaf: {  	[dreg:$0x3] =	wrdreg s2  }
0xb0: {  	[dreg:$0x4] =	wrdreg $0x9  }
0xb1: {  	_ =	task.clear_ibuf [dreg:s7], $0x5FFFF;
	_ =	strace $0x90000046  }
0xb2: {  	s29 =	simm.s32 $0x9;
	_ =	strace $0x80000048  }
0xb3: {  	_ =	swait.ge [sflag:s29], $0x1  }
0xb4: {  	[sflag:s29] =	ssyncadd.s32 $0xFFFFFFFF  }
0xb5: {  	_ =	strace $0x90000048  }
0xb6: {  	_ =	sfence  }
0xb7: {  	s30 =	sld [smem:$0x0];
	_ =	sdelay $0x2  }
0xb8: {  	s31 =	sshll.u32 s1, $0xD;
	s1 =	sshrl.u32 s1, $0x2  }
0xb9: {  	s3 =	sand.u32 $0x4000, s31;
	s1 =	sadd.s32 s1, s30  }
0xba: {  	s0 =	sor.u32 s3, s0;
	s1 =	sshll.u32 s1, $0x11  }
0xbb: {  	s0 =	sor.u32 s1, s0  }
0xbc: {  	s0 =	sadd.s32 $0x8F2B, s0  }
0xbd: {  	[sflag:s0] =	ssyncadd.remote.s32 $0x1  }
0xbe: {  	_ =	sfence.sel $0xFFFF  }
0xbf: {  	[dreg:$0x0] =	wrdreg $0xFFFFFFFF;
	(pc) =	sbr.abs _section_cstart, $3  }
0xc0: {  	[dreg:$0x1] =	wrdreg $0xFFFFFFFF  }
0xc1: {  	_ =	task.clear_ibuf [dreg:s7], $0x2FFFF;
	_ =	strace $0x9FFFFFFF  }
0xc2: {  	(tm) =	ssettm $0x7FFFFFFF  }
0xc3: {  	_ =	shalt  }
tec
execute0_lowered:
.L_overlay_start_1:
0x0: {  	(tag) =	ssettag $0x1  }
0x1: {  	s1 =	srdreg.scid;
	s3 =	rddreg [dreg:$0x0]  }
0x2: {  	s0 =	stileid.u32;
	s5 =	rddreg [dreg:$0x1];
	s18 =	simm.s32 $0x1600  }
0x3: {  	s19 =	simm.s32 $0x1E00;
	s20 =	simm.s32 $0x2600;
	s21 =	simm.s32 $0x2E00  }
0x4: {  	s22 =	simm.s32 $0x3600;
	s1 =	sand.u32 $0x1, s1;
	s2 =	sshll.u32 s0, $0x1  }
0x5: {  	s23 =	simm.s32 $0x3E00;
	s4 =	sor.u32 s1, s2;
	s2 =	simm.s32 $0x0  }
0x6: {  	s24 =	simm.s32 $0x4600;
	s25 =	simm.s32 $0x5600;
	[smem:$0x7FF] =	sst s2  }
0x7: {  	s8 =	simm.s32 $0x4E00;
	_ =	strace $0x80000047;
	[dreg:$0x8] =	wrdreg s18  }
0x8: {  	s26 =	simm.s32 $0x5E00;
	s10 =	simm.s32 $0x6E00;
	[dreg:$0x9] =	wrdreg s19  }
0x9: {  	s11 =	simm.s32 $0x7600;
	s12 =	simm.s32 $0x7E00;
	[dreg:$0xa] =	wrdreg s20  }
0xa: {  	s13 =	simm.s32 $0x8600;
	s28 =	simm.s32 $0xF600;
	[dreg:$0xb] =	wrdreg s21  }
0xb: {  	s29 =	simm.s32 $0xFE00;
	s30 =	simm.s32 $0x10600;
	[dreg:$0xc] =	wrdreg s22  }
0xc: {  	s31 =	simm.s32 $0x1;
	s1 =	ssub.s32 $0x2, s1;
	[dreg:$0xd] =	wrdreg s23  }
0xd: {  	s6 =	smul.u32 $0x180, s4;
	s7 =	sshll.u32 s4, $0xD;
	[dreg:$0xe] =	wrdreg s24  }
0xe: {  	s17 =	sshrl.u32 s1, $0x1;
	s4 =	smul.u32 $0x1600, s4;
	[dreg:$0xf] =	wrdreg s25  }
0xf: {  	s1 =	ssub.s32 s1, s17;
	[dreg:$0x10] =	wrdreg s26;
	s17 =	simm.s32 $0xA600  }
0x10: {  	s18 =	simm.s32 $0xAE00;
	s19 =	simm.s32 $0xB600;
	s6 =	sadd.s32 s6, s3  }
0x11: {  	s20 =	simm.s32 $0xBE00;
	s3 =	sadd.s32 s7, s3;
	s6 =	sadd.s32 $0x1200, s6  }
0x12: {  	s21 =	simm.s32 $0xC600;
	s14 =	sadd.s32 $0x4200, s3;
	[dreg:$0x3] =	wrdreg s6  }
0x13: {  	s22 =	simm.s32 $0xCE00;
	s15 =	sadd.s32 $0x4A00, s3;
	[dreg:$0x4] =	wrdreg s14  }
0x14: {  	s23 =	simm.s32 $0xD600;
	s16 =	sadd.s32 $0x5200, s3;
	[dreg:$0x5] =	wrdreg s15  }
0x15: {  	s24 =	simm.s32 $0xDE00;
	s3 =	sadd.s32 $0x5A00, s3;
	[dreg:$0x6] =	wrdreg s16  }
0x16: {  	s25 =	simm.s32 $0xE600;
	s26 =	simm.s32 $0xEE00;
	[dreg:$0x7] =	wrdreg s3  }
0x17: {  	v3 =	vlaneseq.u32;
	s3 =	sadd.s32 s5, s4;
	s4 =	smax.u32 s1, $0x1;
	s5 =	simm.s32 $0x3  }
0x18: {  	v0 =	vimm.s32 $0x0;
	vm0 =	vmmov $0xffff;
	v2 =	vshrl.u32 v3, $0x3;
	s6 =	simm.s32 $0xE00;
	s14 =	simm.s32 $0x8E00;
	s15 =	simm.s32 $0x9600  }
0x19: {  	v1 =	vand.u32 $0x7, v3;
	v3 =	vor.u32 $0x8, v3;
	v2 =	vmul.u32 $0x8, v2;
	s16 =	simm.s32 $0x9E00;
	s1 =	simm.s32 $0x2;
	s7 =	sadd.s32 $0x100, s3  }
.LBB2_1:
0x1a: {  	s0 =	rddreg [dreg:$0x3]  }
0x1b: {  	[tilespmem:s2], [sflag:$0x3] =	stream.linear.gather [hbm4b:s0+s2], $0xA00, $0x38;
	[tilespmem:$0x10E00] =	vst v63  }
0x1c: {  	_ =	swait.ge [sflag:s5], $0xA00  }
0x1d: {  	[sflag:s5] =	ssyncset.done $0x0  }
0x1e: {  	[sflag:s5] =	ssyncadd.s32 $0xFFFFF600  }
0x1f: {  	v4 =	vld [tilespmem:$0x100]  }
0x20: {  	v5 =	vld [tilespmem:$0x0]  }
0x21: {  	v6 =	vld [tilespmem:$0x80]  }
0x22: {  	v7 =	vld [tilespmem:$0x580]  }
0x23: {  	v9 =	vld [tilespmem:$0x280]  }
0x24: {  	v13 =	vld [tilespmem:$0x300]  }
0x25: {  	v26 =	vld [tilespmem:$0x380]  }
0x26: {  	v17 =	vld [tilespmem:$0x600];
	v8 =	vmul.f32 $1.330000000e+02, v4  }
0x27: {  	v42 =	vld [tilespmem:$0x700];
	v10 =	vmul.f32 $1.230000000e+02, v5;
	v12 =	vmul.f32 $1.230000000e+02, v4  }
0x28: {  	v52 =	vld [tilespmem:$0x900];
	v14 =	vmul.f32 $1.330000000e+02, v5;
	v15 =	vmul.f32 $1.330000000e+02, v6  }
0x29: {  	v11 =	vld [tilespmem:$0x480];
	v4 =	vmul.f32 $5.000000000e+00, v4;
	v16 =	vmul.f32 $1.230000000e+02, v6  }
0x2a: {  	v33 =	vld [tilespmem:$0x500];
	v28 =	vmul.f32 v13, v6;
	v32 =	vmul.f32 v26, v6  }
0x2b: {  	v36 =	vld [tilespmem:$0x180];
	v40 =	vmul.f32 v17, v5;
	v8 =	vadd.f32 $-5.120000000e+02, v8;
	v10 =	vadd.f32 $-5.120000000e+02, v10  }
0x2c: {  	v49 =	vld [tilespmem:$0x880];
	v46 =	vmul.f32 v42, v5;
	v12 =	vadd.f32 $-5.120000000e+02, v12;
	v15 =	vadd.f32 $-5.120000000e+02, v15  }
0x2d: {  	v54 =	vld [tilespmem:$0x200];
	v14 =	vadd.f32 $-5.120000000e+02, v14;
	v29 =	vadd.f32 $-5.120000000e+02, v16;
	v16 =	vmul.f32 v52, v5  }
0x2e: {  	v7 =	vadd.f32 v8, v7;
	vm1 =	vlt.f32 v4, v12;
	v27 =	vadd.f32 v11, v15  }
0x2f: {  	vm4 =	vlt.f32 v28, v15;
	vm6 =	vlt.f32 v28, v29;
	vm15 =	vlt.f32 v32, v15  }
0x30: {  	v31 =	vld [tilespmem:$0x400];
	v8 =	vadd.f32 v33, v15;
	vm2 =	vlt.f32 v4, v7;
	v4 =	vmul.f32 v9, v6  }
0x31: {  	v41 =	vadd.f32 v36, v14;
	v15 =	vmul.f32 v49, v5;
	v12 =	vsel vm1, $0x1, v0  }
0x32: {  	v60 =	vadd.f32 v54, v14;
	v9 =	vnsel vm6, $0x0, v12;
	vm3 =	vlt.f32 v4, v27  }
0x33: {  	v30 =	vsel vm2, $0x1, v0;
	vm5 =	vlt.f32 v4, v29;
	vm2 =	vmand vm3, vm2  }
0x34: {  	v39 =	vld [tilespmem:$0x680];
	v4 =	vnsel vm4, $0x0, v30;
	vm1 =	vmand vm5, vm1;
	v34 =	vsel vm2, $0x3, v0  }
0x35: {  	v6 =	vmul.f32 v31, v6;
	v35 =	vsel vm1, $0x3, v0;
	v4 =	vadd.s32 v4, v34  }
0x36: {  	v43 =	vld [tilespmem:$0x780];
	vm3 =	vlt.f32 v32, v29;
	v7 =	vadd.s32 v35, v9;
	v4 =	vmul.u32 $0x3, v4  }
0x37: {  	v45 =	vld [tilespmem:$0x800];
	v37 =	vnsel vm15, $0x0, v30;
	v38 =	vnsel vm3, $0x0, v12;
	v7 =	vmul.u32 $0x3, v7  }
0x38: {  	v19 =	vld [tilespmem:$0x980];
	vm1 =	vlt.f32 v6, v29;
	vm2 =	vlt.f32 v6, v8;
	v4 =	vadd.s32 v37, v4  }
0x39: {  	v6 =	vmul.f32 v39, v5;
	v7 =	vadd.s32 v38, v7;
	v4 =	vmul.u32 $0x3, v4  }
0x3a: {  	v8 =	vnsel vm2, $0x0, v30;
	v12 =	vnsel vm1, $0x0, v12;
	v7 =	vmul.u32 $0x3, v7  }
0x3b: {  	vm1 =	vlt.f32 v40, v10;
	vm2 =	vlt.f32 v40, v41;
	v4 =	vadd.s32 v8, v4  }
0x3c: {  	v7 =	vadd.s32 v12, v7;
	v8 =	vmul.f32 v43, v5;
	v12 =	vmul.f32 v45, v5  }
0x3d: {  	v5 =	vmul.f32 v19, v5;
	v9 =	vnsel vm2, $0x0, v4;
	v44 =	vnsel vm1, $0x0, v7  }
0x3e: {  	vm1 =	vlt.f32 v6, v10;
	vm2 =	vlt.f32 v6, v14;
	v9 =	vadd.s32 v44, v9  }
0x3f: {  	v47 =	vnsel vm2, $0x0, v4;
	v48 =	vnsel vm1, $0x0, v7;
	vm2 =	vlt.f32 v46, v14  }
0x40: {  	vm1 =	vlt.f32 v46, v10;
	v11 =	vadd.s32 v48, v47;
	v6 =	vnsel vm2, $0x0, v4  }
0x41: {  	vm2 =	vlt.f32 v8, v14;
	v50 =	vnsel vm1, $0x0, v7;
	vm1 =	vlt.f32 v8, v10  }
0x42: {  	v55 =	vshll.u32 v9, $0x2;
	v56 =	vand.u32 $0x7, v9;
	v51 =	vnsel vm2, $0x0, v4  }
0x43: {  	v53 =	vnsel vm1, $0x0, v7;
	vm1 =	vlt.f32 v12, v10;
	vm2 =	vlt.f32 v12, v14  }
0x44: {  	v6 =	vadd.s32 v50, v6;
	v12 =	vnsel vm2, $0x0, v4;
	v18 =	vnsel vm1, $0x0, v7  }
0x45: {  	vm1 =	vlt.f32 v15, v10;
	vm2 =	vlt.f32 v15, v14;
	v15 =	vand.u32 $0x7FFFFFE0, v55  }
0x46: {  	[tilespmem:$0xC00] =	vst v9;
	v8 =	vadd.s32 v53, v51;
	v12 =	vadd.s32 v18, v12;
	v15 =	vor.u32 v56, v15  }
0x47: {  	[tilespmem:$0xC10] =	vst v11;
	v57 =	vnsel vm2, $0x0, v4;
	v58 =	vnsel vm1, $0x0, v7;
	v59 =	vperm.xlane v15, v1  }
0x48: {  	[tilespmem:$0xC80] =	vst v6;
	vm1 =	vlt.f32 v16, v10;
	vm2 =	vlt.f32 v16, v14;
	v9 =	vadd.s32 v58, v57  }
0x49: {  	[tilespmem:$0xC90] =	vst v8;
	v61 =	vnsel vm2, $0x0, v4;
	v62 =	vnsel vm1, $0x0, v7;
	v11 =	vadd.s32 v2, v59  }
0x4a: {  	[tilespmem:$0xD00] =	vst v12;
	vm1 =	vlt.f32 v5, v10;
	vm2 =	vlt.f32 v5, v60;
	v63 =	vperm.xlane v15, v3  }
0x4b: {  	v8 =	vadd.s32 v62, v61;
	[tilespmem:$0xD10] =	vst v9;
	v4 =	vnsel vm2, $0x0, v4;
	v5 =	vnsel vm1, $0x0, v7  }
0x4c: {  	[tilespmem:$0xD80] =	vst v8;
	v4 =	vadd.s32 v5, v4  }
0x4d: {  	[tilespmem:$0xD90] =	vst v4;
	v4 =	vadd.s32 v2, v63  }
0x4e: {  	[tilespmem:s6], [sflag:$0x1] =	stream.indirect_vreg.gather [hbm4b:s3+s2], $0x80, v11, vm0, $0xb8;
	[tilespmem:$0x10E00] =	vst v63  }
0x4f: {  	s0 =	rddreg [dreg:$0x8]  }
0x50: {  	[tilespmem:s0], [sflag:$0x1] =	stream.indirect_vreg.gather [hbm4b:s7+s2], $0x80, v11, vm0, $0xb8;
	[tilespmem:$0x10E00] =	vst v63  }
0x51: {  	s9 =	rddreg [dreg:$0x9]  }
0x52: {  	[tilespmem:s9], [sflag:$0x1] =	stream.indirect_vreg.gather [hbm4b:s3+s2], $0x80, v4, vm0, $0xb8;
	[tilespmem:$0x10E00] =	vst v63  }
0x53: {  	s0 =	rddreg [dreg:$0xa]  }
0x54: {  	[tilespmem:s0], [sflag:$0x1] =	stream.indirect_vreg.gather [hbm4b:s7+s2], $0x80, v4, vm0, $0xb8;
	[tilespmem:$0x10E00] =	vst v63  }
0x55: {  	v4 =	vld [tilespmem:$0xC10];
	_ =	sdelay $0x4  }
0x56: {  	v5 =	vshll.u32 v4, $0x2  }
0x57: {  	v4 =	vand.u32 $0x7, v4;
	v5 =	vand.u32 $0xFFFFFFE0, v5  }
0x58: {  	v4 =	vor.u32 v4, v5  }
0x59: {  	v5 =	vperm.xlane v4, v1;
	_ =	sdelay $0x1  }
0x5a: {  	v5 =	vadd.s32 v2, v5;
	_ =	sdelay $0x1  }
0x5b: {  	v4 =	vperm.xlane v4, v3;
	_ =	sdelay $0x1  }
0x5c: {  	s0 =	rddreg [dreg:$0xb];
	v4 =	vadd.s32 v2, v4  }
0x5d: {  	[tilespmem:s0], [sflag:$0x1] =	stream.indirect_vreg.gather [hbm4b:s3+s2], $0x80, v5, vm0, $0xb8;
	[tilespmem:$0x10E00] =	vst v63  }
0x5e: {  	s9 =	rddreg [dreg:$0xc]  }
0x5f: {  	[tilespmem:s9], [sflag:$0x1] =	stream.indirect_vreg.gather [hbm4b:s7+s2], $0x80, v5, vm0, $0xb8;
	[tilespmem:$0x10E00] =	vst v63  }
0x60: {  	s0 =	rddreg [dreg:$0xd]  }
0x61: {  	[tilespmem:s0], [sflag:$0x1] =	stream.indirect_vreg.gather [hbm4b:s3+s2], $0x80, v4, vm0, $0xb8;
	[tilespmem:$0x10E00] =	vst v63  }
0x62: {  	s9 =	rddreg [dreg:$0xe]  }
0x63: {  	[tilespmem:s9], [sflag:$0x1] =	stream.indirect_vreg.gather [hbm4b:s7+s2], $0x80, v4, vm0, $0xb8;
	[tilespmem:$0x10E00] =	vst v63  }
0x64: {  	v4 =	vld [tilespmem:$0xC80];
	_ =	sdelay $0x4  }
0x65: {  	v5 =	vshll.u32 v4, $0x2  }
0x66: {  	v4 =	vand.u32 $0x7, v4;
	v5 =	vand.u32 $0xFFFFFFE0, v5  }
0x67: {  	v4 =	vor.u32 v4, v5  }
0x68: {  	v5 =	vperm.xlane v4, v1;
	_ =	sdelay $0x1  }
0x69: {  	v5 =	vadd.s32 v2, v5;
	_ =	sdelay $0x1  }
0x6a: {  	v4 =	vperm.xlane v4, v3;
	_ =	sdelay $0x1  }
0x6b: {  	v4 =	vadd.s32 v2, v4  }
0x6c: {  	[tilespmem:s8], [sflag:$0x1] =	stream.indirect_vreg.gather [hbm4b:s3+s2], $0x80, v5, vm0, $0xb8;
	[tilespmem:$0x10E00] =	vst v63  }
0x6d: {  	s0 =	rddreg [dreg:$0xf]  }
0x6e: {  	[tilespmem:s0], [sflag:$0x1] =	stream.indirect_vreg.gather [hbm4b:s7+s2], $0x80, v5, vm0, $0xb8;
	[tilespmem:$0x10E00] =	vst v63  }
0x6f: {  	s9 =	rddreg [dreg:$0x10]  }
0x70: {  	[tilespmem:s9], [sflag:$0x1] =	stream.indirect_vreg.gather [hbm4b:s3+s2], $0x80, v4, vm0, $0xb8;
	[tilespmem:$0x10E00] =	vst v63  }
0x71: {  	s9 =	simm.s32 $0x6600  }
0x72: {  	[tilespmem:s9], [sflag:$0x1] =	stream.indirect_vreg.gather [hbm4b:s7+s2], $0x80, v4, vm0, $0xb8;
	[tilespmem:$0x10E00] =	vst v63  }
0x73: {  	v4 =	vld [tilespmem:$0xC90];
	_ =	sdelay $0x4  }
0x74: {  	v5 =	vshll.u32 v4, $0x2  }
0x75: {  	v4 =	vand.u32 $0x7, v4;
	v5 =	vand.u32 $0xFFFFFFE0, v5  }
0x76: {  	v4 =	vor.u32 v4, v5  }
0x77: {  	v5 =	vperm.xlane v4, v1;
	_ =	sdelay $0x1  }
0x78: {  	v5 =	vadd.s32 v2, v5;
	_ =	sdelay $0x1  }
0x79: {  	v4 =	vperm.xlane v4, v3;
	_ =	sdelay $0x1  }
0x7a: {  	v4 =	vadd.s32 v2, v4  }
0x7b: {  	[tilespmem:s10], [sflag:$0x1] =	stream.indirect_vreg.gather [hbm4b:s3+s2], $0x80, v5, vm0, $0xb8;
	[tilespmem:$0x10E00] =	vst v63  }
0x7c: {  	_ = 	snop  }
0x7d: {  	[tilespmem:s11], [sflag:$0x1] =	stream.indirect_vreg.gather [hbm4b:s7+s2], $0x80, v5, vm0, $0xb8;
	[tilespmem:$0x10E00] =	vst v63  }
0x7e: {  	_ = 	snop  }
0x7f: {  	[tilespmem:s12], [sflag:$0x1] =	stream.indirect_vreg.gather [hbm4b:s3+s2], $0x80, v4, vm0, $0xb8;
	[tilespmem:$0x10E00] =	vst v63  }
0x80: {  	_ = 	snop  }
0x81: {  	[tilespmem:s13], [sflag:$0x1] =	stream.indirect_vreg.gather [hbm4b:s7+s2], $0x80, v4, vm0, $0xb8;
	[tilespmem:$0x10E00] =	vst v63  }
0x82: {  	v4 =	vld [tilespmem:$0xD00];
	_ =	sdelay $0x4  }
0x83: {  	v5 =	vshll.u32 v4, $0x2  }
0x84: {  	v4 =	vand.u32 $0x7, v4;
	v5 =	vand.u32 $0xFFFFFFE0, v5  }
0x85: {  	v4 =	vor.u32 v4, v5  }
0x86: {  	v5 =	vperm.xlane v4, v1;
	_ =	sdelay $0x1  }
0x87: {  	v5 =	vadd.s32 v2, v5;
	_ =	sdelay $0x1  }
0x88: {  	v4 =	vperm.xlane v4, v3;
	_ =	sdelay $0x1  }
0x89: {  	v4 =	vadd.s32 v2, v4  }
0x8a: {  	[tilespmem:s14], [sflag:$0x1] =	stream.indirect_vreg.gather [hbm4b:s3+s2], $0x80, v5, vm0, $0xb8;
	[tilespmem:$0x10E00] =	vst v63  }
0x8b: {  	_ = 	snop  }
0x8c: {  	[tilespmem:s15], [sflag:$0x1] =	stream.indirect_vreg.gather [hbm4b:s7+s2], $0x80, v5, vm0, $0xb8;
	[tilespmem:$0x10E00] =	vst v63  }
0x8d: {  	_ = 	snop  }
0x8e: {  	[tilespmem:s16], [sflag:$0x1] =	stream.indirect_vreg.gather [hbm4b:s3+s2], $0x80, v4, vm0, $0xb8;
	[tilespmem:$0x10E00] =	vst v63  }
0x8f: {  	_ = 	snop  }
0x90: {  	[tilespmem:s17], [sflag:$0x1] =	stream.indirect_vreg.gather [hbm4b:s7+s2], $0x80, v4, vm0, $0xb8;
	[tilespmem:$0x10E00] =	vst v63  }
0x91: {  	v4 =	vld [tilespmem:$0xD10];
	_ =	sdelay $0x4  }
0x92: {  	v5 =	vshll.u32 v4, $0x2  }
0x93: {  	v4 =	vand.u32 $0x7, v4;
	v5 =	vand.u32 $0xFFFFFFE0, v5  }
0x94: {  	v4 =	vor.u32 v4, v5  }
0x95: {  	v5 =	vperm.xlane v4, v1;
	_ =	sdelay $0x1  }
0x96: {  	v5 =	vadd.s32 v2, v5;
	_ =	sdelay $0x1  }
0x97: {  	v4 =	vperm.xlane v4, v3;
	_ =	sdelay $0x1  }
0x98: {  	v4 =	vadd.s32 v2, v4  }
0x99: {  	[tilespmem:s18], [sflag:$0x1] =	stream.indirect_vreg.gather [hbm4b:s3+s2], $0x80, v5, vm0, $0xb8;
	[tilespmem:$0x10E00] =	vst v63  }
0x9a: {  	_ = 	snop  }
0x9b: {  	[tilespmem:s19], [sflag:$0x1] =	stream.indirect_vreg.gather [hbm4b:s7+s2], $0x80, v5, vm0, $0xb8;
	[tilespmem:$0x10E00] =	vst v63  }
0x9c: {  	_ = 	snop  }
0x9d: {  	[tilespmem:s20], [sflag:$0x1] =	stream.indirect_vreg.gather [hbm4b:s3+s2], $0x80, v4, vm0, $0xb8;
	[tilespmem:$0x10E00] =	vst v63  }
0x9e: {  	_ = 	snop  }
0x9f: {  	[tilespmem:s21], [sflag:$0x1] =	stream.indirect_vreg.gather [hbm4b:s7+s2], $0x80, v4, vm0, $0xb8;
	[tilespmem:$0x10E00] =	vst v63  }
0xa0: {  	v4 =	vld [tilespmem:$0xD80];
	_ =	sdelay $0x4  }
0xa1: {  	v5 =	vshll.u32 v4, $0x2  }
0xa2: {  	v4 =	vand.u32 $0x7, v4;
	v5 =	vand.u32 $0xFFFFFFE0, v5  }
0xa3: {  	v4 =	vor.u32 v4, v5  }
0xa4: {  	v5 =	vperm.xlane v4, v1;
	_ =	sdelay $0x1  }
0xa5: {  	v5 =	vadd.s32 v2, v5;
	_ =	sdelay $0x1  }
0xa6: {  	v4 =	vperm.xlane v4, v3;
	_ =	sdelay $0x1  }
0xa7: {  	v4 =	vadd.s32 v2, v4  }
0xa8: {  	[tilespmem:s22], [sflag:$0x1] =	stream.indirect_vreg.gather [hbm4b:s3+s2], $0x80, v5, vm0, $0xb8;
	[tilespmem:$0x10E00] =	vst v63  }
0xa9: {  	_ = 	snop  }
0xaa: {  	[tilespmem:s23], [sflag:$0x1] =	stream.indirect_vreg.gather [hbm4b:s7+s2], $0x80, v5, vm0, $0xb8;
	[tilespmem:$0x10E00] =	vst v63  }
0xab: {  	_ = 	snop  }
0xac: {  	[tilespmem:s24], [sflag:$0x1] =	stream.indirect_vreg.gather [hbm4b:s3+s2], $0x80, v4, vm0, $0xb8;
	[tilespmem:$0x10E00] =	vst v63  }
0xad: {  	_ = 	snop  }
0xae: {  	[tilespmem:s25], [sflag:$0x1] =	stream.indirect_vreg.gather [hbm4b:s7+s2], $0x80, v4, vm0, $0xb8;
	[tilespmem:$0x10E00] =	vst v63  }
0xaf: {  	v4 =	vld [tilespmem:$0xD90];
	_ =	sdelay $0x4  }
0xb0: {  	v5 =	vshll.u32 v4, $0x2  }
0xb1: {  	v4 =	vand.u32 $0x7, v4;
	v5 =	vand.u32 $0xFFFFFFE0, v5  }
0xb2: {  	v4 =	vor.u32 v4, v5  }
0xb3: {  	v5 =	vperm.xlane v4, v1;
	_ =	sdelay $0x1  }
0xb4: {  	v5 =	vadd.s32 v2, v5;
	_ =	sdelay $0x1  }
0xb5: {  	v4 =	vperm.xlane v4, v3;
	_ =	sdelay $0x1  }
0xb6: {  	v4 =	vadd.s32 v2, v4  }
0xb7: {  	[tilespmem:s26], [sflag:$0x1] =	stream.indirect_vreg.gather [hbm4b:s3+s2], $0x80, v5, vm0, $0xb8;
	[tilespmem:$0x10E00] =	vst v63  }
0xb8: {  	_ = 	snop  }
0xb9: {  	[tilespmem:s28], [sflag:$0x1] =	stream.indirect_vreg.gather [hbm4b:s7+s2], $0x80, v5, vm0, $0xb8;
	[tilespmem:$0x10E00] =	vst v63  }
0xba: {  	_ = 	snop  }
0xbb: {  	[tilespmem:s29], [sflag:$0x1] =	stream.indirect_vreg.gather [hbm4b:s3+s2], $0x80, v4, vm0, $0xb8;
	[tilespmem:$0x10E00] =	vst v63  }
0xbc: {  	_ = 	snop  }
0xbd: {  	[tilespmem:s30], [sflag:$0x1] =	stream.indirect_vreg.gather [hbm4b:s7+s2], $0x80, v4, vm0, $0xb8;
	[tilespmem:$0x10E00] =	vst v63  }
0xbe: {  	_ =	swait.ge [sflag:s31], $0x4000  }
0xbf: {  	[sflag:s31] =	ssyncset.done $0x0  }
0xc0: {  	s9 =	rddreg [dreg:$0x4];
	[sflag:s31] =	ssyncadd.s32 $0xFFFFC000  }
0xc1: {  	[hbm4b:s9+s2] =	stream.linear.scatter [tilespmem:s6], [sflag:$0x2], $0x4000, $0x38;
	[tilespmem:$0x10E00] =	vst v63  }
0xc2: {  	_ =	swait.ge [sflag:s31], $0x4000  }
0xc3: {  	[sflag:s31] =	ssyncset.done $0x0  }
0xc4: {  	s9 =	rddreg [dreg:$0x5];
	[sflag:s31] =	ssyncadd.s32 $0xFFFFC000  }
0xc5: {  	[hbm4b:s9+s2] =	stream.linear.scatter [tilespmem:s8], [sflag:$0x2], $0x4000, $0x38;
	[tilespmem:$0x10E00] =	vst v63  }
0xc6: {  	_ =	swait.ge [sflag:s31], $0x4000  }
0xc7: {  	[sflag:s31] =	ssyncset.done $0x0  }
0xc8: {  	s9 =	rddreg [dreg:$0x6];
	[sflag:s31] =	ssyncadd.s32 $0xFFFFC000  }
0xc9: {  	[hbm4b:s9+s2] =	stream.linear.scatter [tilespmem:s14], [sflag:$0x2], $0x4000, $0x38;
	[tilespmem:$0x10E00] =	vst v63  }
0xca: {  	_ =	swait.ge [sflag:s31], $0x4000  }
0xcb: {  	[sflag:s31] =	ssyncset.done $0x0  }
0xcc: {  	s9 =	rddreg [dreg:$0x7];
	[sflag:s31] =	ssyncadd.s32 $0xFFFFC000  }
0xcd: {  	[hbm4b:s9+s2] =	stream.linear.scatter [tilespmem:s22], [sflag:$0x2], $0x4000, $0x38;
	[tilespmem:$0x10E00] =	vst v63  }
0xce: {  	_ =	swait.ge [sflag:s1], $0x4000  }
0xcf: {  	[sflag:s1] =	ssyncset.done $0x0  }
0xd0: {  	[sflag:s1] =	ssyncadd.s32 $0xFFFFC000  }
0xd1: {  	_ =	swait.ge [sflag:s1], $0x4000  }
0xd2: {  	[sflag:s1] =	ssyncset.done $0x0  }
0xd3: {  	[sflag:s1] =	ssyncadd.s32 $0xFFFFC000  }
0xd4: {  	p0 =	sne.s32 s4, $0x1;
	_ =	swait.ge [sflag:s1], $0x4000  }
.Ltmp0:
0xd5: {  	[sflag:s1] =	ssyncset.done $0x0;
	(pc) =	sbr.rel @p0 .LBB2_1-.Ltmp0, $4  }
0xd6: {  	[sflag:s1] =	ssyncadd.s32 $0xFFFFC000  }
0xd7: {  	_ =	swait.ge [sflag:s1], $0x4000  }
0xd8: {  	[sflag:s1] =	ssyncset.done $0x0  }
0xd9: {  	s4 =	sadd.s32 $0xFFFFFFFF, s4;
	[sflag:s1] =	ssyncadd.s32 $0xFFFFC000  }
0xda: {  	_ =	sfence.sel $0x180000  }
0xdb: {  	[bflag:$0x0] =	sbarrier.arrive $0xFFFF  }
0xdc: {  	_ =	strace $0x90000047  }
0xdd: {  	s0 =	stileid.u32;
	[bflag:$0x2] =	sbarrier.arrive $0xFFFF  }
0xde: {  	p0 =	sne.s32 s0, $0x0;
	s0 =	rddreg [dreg:$0x2]  }
0xdf: {  	s0 =	sadd.s32 @!p0 $0x100000, s0  }
0xe0: {  	[sflag:s0] =	ssyncadd.tile.s32 @!p0 $0x1;
	_ =	shalt  }
.Lfunc_end2:
_tile_overlayer_lowered:
.L_overlay_start_2:
0xe1: {  	(tag) =	ssettag $0x2  }
0xe2: {  	s0 =	rddreg [dreg:$0x0];
	s2 =	stileid.u32  }
0xe3: {  	s1 =	rddreg [dreg:$0x1];
	p0 =	sne.s32 s2, $0x0  }
0xe4: {  	s3 =	rddreg [dreg:$0x2];
	[bflag:$0x3] =	sbarrier.arrive $0xFFFF;
	s2 =	simm.s32 @!p0 $0x1C03  }
0xe5: {  	[timem:s3], [sflag:s2] =	dma.local @!p0 [hbm:s0], s1  }
0xe6: {  	s0 =	simm.s32 @!p0 $0x3  }
0xe7: {  	_ =	swait.ge @!p0 [sflag:s0], s1  }
0xe8: {  	s1 =	ssub.s32 @!p0 $0x0, s1;
	[sflag:s0] =	ssyncset.done @!p0 $0x0  }
0xe9: {  	[sflag:s0] =	ssyncadd.s32 @!p0 s1  }
0xea: {  	[bflag:$0x3] =	sbarrier.arrive $0xFFFF  }
0xeb: {  	_ =	shalt  }

</sc_bundles>
